<compile_context>
chip_gen: v7x
topology: tpu7x:2x2x1
jax: 0.10.2.dev20260603
libtpu: 0.0.44.dev20260713+nightly
codegen_flags: <defaults>
</compile_context>

<pallas_src>
import jax
import jax.numpy as jnp
from jax import lax
from jax.experimental import pallas as pl
from jax.experimental.pallas import tpu as pltpu
from jax.experimental.pallas import tpu_sc as plsc

VOCAB = 1000000
EMB = 64
OUT = 64
BATCH = 16384
HIST = 50
BTOT = BATCH * HIST
NJ = HIST // 2


TBN = 16384
TGRID = 33
T2ROWS = TGRID * TBN
HI0 = 29 * TBN
HIB = 29
SPLIT = 500000


def _tf_body(lo_ref, hi_ref, wt_ref, out_ref):
    dn = (((0,), (0,)), ((), ()))
    lo = lax.dot_general(lo_ref[...], wt_ref[...], dn,
                         preferred_element_type=jnp.float32)
    hi = lax.dot_general(hi_ref[...], wt_ref[...], dn,
                         preferred_element_type=jnp.float32)
    out_ref[...] = jnp.maximum(jnp.concatenate([lo, hi], axis=1), 0.0)


def _tc_transform(tt, wt):
    return pl.pallas_call(
        _tf_body,
        grid=(TGRID,),
        in_specs=[
            pl.BlockSpec((EMB, TBN), lambda i: (0, i)),
            pl.BlockSpec((EMB, TBN), lambda i: (0, HIB + i)),
            pl.BlockSpec((EMB, OUT), lambda i: (0, 0)),
        ],
        out_specs=pl.BlockSpec((TBN, 2 * OUT), lambda i: (i, 0)),
        out_shape=jax.ShapeDtypeStruct((T2ROWS, 2 * OUT), jnp.float32),
        compiler_params=pltpu.CompilerParams(vmem_limit_bytes=100 * 1024 * 1024),
    )(tt, tt, wt)



_NC, _NS = 2, 16
NW = _NC * _NS
XROWS_PER_W = BATCH // NW
B_PER_W = BTOT // NW
CHUNK = 2 * XROWS_PER_W
L = 16
HI_ADJ = 2 * HI0 + 1


def _sc_gather_body(t2_hbm, x_hbm, out_hbm, x2_v, idx_v, rows_v, gsem, wsem):
    wid = lax.axis_index("s") * _NC + lax.axis_index("c")
    b0 = wid * XROWS_PER_W

    pltpu.sync_copy(x_hbm.at[pl.ds(b0, XROWS_PER_W)], x2_v)

    def flatten(g, carry):
        m = lax.iota(jnp.int32, L) + jnp.full((L,), g * L, dtype=jnp.int32)
        j = jnp.right_shift(m, 10)
        q = jnp.bitwise_and(m, 1023)
        b = jnp.right_shift(q, 1)
        col = 2 * j + jnp.bitwise_and(m, 1)
        r = plsc.load_gather(x2_v, [b, col])
        rp = 2 * r - jnp.where(
            r >= jnp.full((L,), SPLIT, dtype=jnp.int32),
            jnp.full((L,), HI_ADJ - 2, dtype=jnp.int32),
            jnp.full((L,), 0, dtype=jnp.int32),
        )
        idx_v[pl.ds(g * L, L)] = rp
        return carry

    lax.fori_loop(0, B_PER_W // L, flatten, 0)

    def chunk(j, carry):
        off = pl.multiple_of(j * CHUNK, CHUNK)
        pltpu.async_copy(
            t2_hbm.at[idx_v.at[pl.ds(off, CHUNK)]], rows_v, gsem
        ).wait()
        pltpu.async_copy(
            rows_v, out_hbm.at[j, pl.ds(2 * b0, CHUNK)], wsem
        ).wait()
        return carry

    lax.fori_loop(0, NJ, chunk, 0)


def _sc_gather(t2v, x):
    mesh = plsc.VectorSubcoreMesh(core_axis_name="c", subcore_axis_name="s")
    f = pl.kernel(
        _sc_gather_body,
        mesh=mesh,
        out_type=jax.ShapeDtypeStruct((NJ, 2 * BATCH, EMB), jnp.float32),
        scratch_types=[
            pltpu.VMEM((XROWS_PER_W, HIST), jnp.int32),
            pltpu.VMEM((B_PER_W,), jnp.int32),
            pltpu.VMEM((CHUNK, EMB), jnp.float32),
            pltpu.SemaphoreType.DMA,
            pltpu.SemaphoreType.DMA,
        ],
        compiler_params=pltpu.CompilerParams(
            use_tc_tiling_on_sc=False, needs_layout_passes=False
        ),
    )
    return f(t2v, x)



BB = 1024
NB = BATCH // BB


def _tr_body(emb_ref, out_ref):
    v = emb_ref[...].reshape(NJ * BB, 2 * EMB)
    for j in range(NJ):
        vj = v[j * BB:(j + 1) * BB]
        out_ref[2 * j] = vj[:, :OUT].T
        out_ref[2 * j + 1] = vj[:, OUT:].T


def _tc_transpose(emb3):
    return pl.pallas_call(
        _tr_body,
        grid=(NB,),
        in_specs=[
            pl.BlockSpec((NJ, BB, 2 * EMB), lambda i: (0, i, 0)),
        ],
        out_specs=pl.BlockSpec((HIST, OUT, BB), lambda i: (0, 0, i)),
        out_shape=jax.ShapeDtypeStruct((HIST, OUT, BATCH), jnp.float32),
        compiler_params=pltpu.CompilerParams(vmem_limit_bytes=100 * 1024 * 1024),
    )(emb3)


def kernel(x, table, W):
    t2 = _tc_transform(table.T, W.T)
    t2v = t2.reshape(2 * T2ROWS, EMB)
    emb = _sc_gather(t2v, x)
    emb3 = emb.reshape(NJ, BATCH, 2 * EMB)
    out3 = _tc_transpose(emb3)
    return out3.transpose(2, 0, 1)

# --- scband reference (transcript-rebuilt; emitter-appended) ---
"""Pipeline reference for scband-ecoder-destination-66795331387723 (READ-ONLY COPY).

The authoritative reference and input builder live on the scoring server;
editing this copy changes nothing except your own understanding.
"""

import jax, jax.numpy as jnp
import numpy as np

VOCAB = 1000000
EMB = 64
OUT = 64
BATCH = 16384
HIST = 50


def setup_inputs(seed: int = 0) -> dict:
    key = jax.random.key(seed)
    k1, k2, k3 = jax.random.split(key, 3)
    x = jax.random.randint(k1, (BATCH, HIST), 0, VOCAB, dtype=jnp.int32)
    # nn.Embedding weight ~ N(0,1); padding_idx=0 row is zeroed at init
    table = jax.random.normal(k2, (VOCAB, EMB), dtype=jnp.float32)
    table = table.at[0].set(0.0)
    # nn.Linear(embedding_size, output_size, bias=False) weight: [out, in], U(-1/sqrt(in), 1/sqrt(in))
    bound = 1.0 / np.sqrt(EMB)
    W = jax.random.uniform(k3, (OUT, EMB), dtype=jnp.float32, minval=-bound, maxval=bound)
    return {"x": x, "table": table, "W": W}


def reference(x, table, W):
    # x cast to long -> already int; embedding lookup
    emb = jnp.take(table, x, axis=0)          # [B, L, EMB]
    out = emb @ W.T                            # [B, L, OUT]
    out = jax.nn.relu(out)
    return out

if __name__ == "__main__":
    import jax
    _d = setup_inputs()
    print(jax.jit(kernel)(*tuple(_d.values())))

</pallas_src>

<mosaic_0001>
#map = affine_map<(d0, d1) -> (0, 0)>
#map1 = affine_map<(d0, d1) -> (0, 0, 0)>
module attributes {stable_mosaic.version = 14 : i64} {
  func.func @_sc_gather_body(%arg0: i32, %arg1: i32, %arg2: memref<1081344x64xf32, #tpu.memory_space<hbm>>, %arg3: memref<16384x50xi32, #tpu.memory_space<hbm>>, %arg4: memref<25x32768x64xf32, #tpu.memory_space<hbm>>, %arg5: memref<512x50xi32, #tpu.memory_space<vmem>>, %arg6: memref<25600xi32, #tpu.memory_space<vmem>>, %arg7: memref<1024x64xf32, #tpu.memory_space<vmem>>, %arg8: memref<!tpu.dma_semaphore, #tpu.memory_space<semaphore_mem>>, %arg9: memref<!tpu.dma_semaphore, #tpu.memory_space<semaphore_mem>>) attributes {dimension_semantics = [#tpu.dimension_semantics<core_parallel>, #tpu.dimension_semantics<subcore_parallel>], iteration_bounds = array<i64: 2, 16>, scalar_prefetch = 0 : i64, scratch_operands = 5 : i64, tpu.core_type = #tpu.core_type<sc_vector_subcore>, window_params = [{transform_indices = #map}, {transform_indices = #map}, {transform_indices = #map1}]} {
    %mul3A = arith.constant 2 : i32
    %mul3A_0 = arith.muli %arg1, %mul3A : i32
    %add3A = arith.addi %mul3A_0, %arg0 : i32
    %mul3A_1 = arith.constant 512 : i32
    %mul3A_2 = arith.muli %add3A, %mul3A_1 : i32
    "tpu.region"() ({
      %run_scoped3A = tpu.sem_alloc : memref<!tpu.dma_semaphore, #tpu.memory_space<semaphore_mem>>
      %dma_start3A = arith.constant 0 : i32
      %dma_start3A_14 = tpu.memref_slice %arg3[%mul3A_2, %dma_start3A] : memref<16384x50xi32, #tpu.memory_space<hbm>> -> memref<512x50xi32, #tpu.memory_space<hbm>>
      %dma_start3A_15 = arith.constant 0 : i32
      %dma_start3A_16 = tpu.memref_slice %arg3[%mul3A_2, %dma_start3A_15] : memref<16384x50xi32, #tpu.memory_space<hbm>> -> memref<512x50xi32, #tpu.memory_space<hbm>>
      tpu.enqueue_dma source(%dma_start3A_16 : memref<512x50xi32, #tpu.memory_space<hbm>>) target(%arg5 : memref<512x50xi32, #tpu.memory_space<vmem>>) target_semaphore(%run_scoped3A : memref<!tpu.dma_semaphore, #tpu.memory_space<semaphore_mem>>)
      %dma_wait3A = arith.constant 0 : i32
      %dma_wait3A_17 = tpu.memref_slice %arg3[%mul3A_2, %dma_wait3A] : memref<16384x50xi32, #tpu.memory_space<hbm>> -> memref<512x50xi32, #tpu.memory_space<hbm>>
      %dma_wait3A_18 = arith.constant 0 : i32
      %dma_wait3A_19 = tpu.memref_slice %arg3[%mul3A_2, %dma_wait3A_18] : memref<16384x50xi32, #tpu.memory_space<hbm>> -> memref<512x50xi32, #tpu.memory_space<hbm>>
      tpu.wait_dma2 semaphore(%run_scoped3A : memref<!tpu.dma_semaphore, #tpu.memory_space<semaphore_mem>>) src(%dma_wait3A_19 : memref<512x50xi32, #tpu.memory_space<hbm>>) dst(%arg5 : memref<512x50xi32, #tpu.memory_space<vmem>>)
      tpu.yield
    }) : () -> ()
    %scan3A = arith.constant 0 : i32
    %scan3A_3 = arith.constant 0 : i32
    %scan3A_4 = arith.constant 1600 : i32
    %scan3A_5 = arith.addi %scan3A_3, %scan3A_4 : i32
    %scan3A_6 = arith.constant 1 : i32
    scf.for %scan3A_14 = %scan3A_3 to %scan3A_5 step %scan3A_6  : i32 {
      %iota3A = tpu.iota {dimensions = array<i32: 0>} : vector<16xi32>
      %mul3A_15 = arith.constant 16 : i32
      %mul3A_16 = arith.muli %scan3A_14, %mul3A_15 : i32
      %broadcast_in_dim3A = vector.broadcast %mul3A_16 : i32 to vector<16xi32>
      %add3A_17 = arith.addi %iota3A, %broadcast_in_dim3A : vector<16xi32>
      %shift_right_arithmetic3A = arith.constant 10 : i32
      %shift_right_arithmetic3A_18 = vector.broadcast %shift_right_arithmetic3A : i32 to vector<16xi32>
      %shift_right_arithmetic3A_19 = arith.shrsi %add3A_17, %shift_right_arithmetic3A_18 : vector<16xi32>
      %and3A = arith.constant 1023 : i32
      %and3A_20 = vector.broadcast %and3A : i32 to vector<16xi32>
      %and3A_21 = arith.andi %add3A_17, %and3A_20 : vector<16xi32>
      %shift_right_arithmetic3A_22 = arith.constant 1 : i32
      %shift_right_arithmetic3A_23 = vector.broadcast %shift_right_arithmetic3A_22 : i32 to vector<16xi32>
      %shift_right_arithmetic3A_24 = arith.shrsi %and3A_21, %shift_right_arithmetic3A_23 : vector<16xi32>
      %mul3A_25 = arith.constant 2 : i32
      %mul3A_26 = vector.broadcast %mul3A_25 : i32 to vector<16xi32>
      %mul3A_27 = arith.muli %mul3A_26, %shift_right_arithmetic3A_19 : vector<16xi32>
      %and3A_28 = arith.constant 1 : i32
      %and3A_29 = vector.broadcast %and3A_28 : i32 to vector<16xi32>
      %and3A_30 = arith.andi %add3A_17, %and3A_29 : vector<16xi32>
      %add3A_31 = arith.addi %mul3A_27, %and3A_30 : vector<16xi32>
      %gather3A = tpu.vector_load_idx %arg5[%shift_right_arithmetic3A_24, %add3A_31] : memref<512x50xi32, #tpu.memory_space<vmem>>[vector<16xi32>, vector<16xi32>], vector<16xi32>,
      %mul3A_32 = arith.constant 2 : i32
      %mul3A_33 = vector.broadcast %mul3A_32 : i32 to vector<16xi32>
      %mul3A_34 = arith.muli %mul3A_33, %gather3A : vector<16xi32>
      %broadcast_in_dim3A_35 = arith.constant 500000 : i32
      %broadcast_in_dim3A_36 = vector.broadcast %broadcast_in_dim3A_35 : i32 to vector<16xi32>
      %ge3A = arith.cmpi sge, %gather3A, %broadcast_in_dim3A_36 : vector<16xi32>
      %broadcast_in_dim3A_37 = arith.constant 950271 : i32
      %broadcast_in_dim3A_38 = vector.broadcast %broadcast_in_dim3A_37 : i32 to vector<16xi32>
      %broadcast_in_dim3A_39 = arith.constant 0 : i32
      %broadcast_in_dim3A_40 = vector.broadcast %broadcast_in_dim3A_39 : i32 to vector<16xi32>
      %select_n3A = arith.select %ge3A, %broadcast_in_dim3A_38, %broadcast_in_dim3A_40 : vector<16xi1>, vector<16xi32>
      %sub3A = arith.subi %mul3A_34, %select_n3A : vector<16xi32>
      %mul3A_41 = arith.constant 16 : i32
      %mul3A_42 = arith.muli %scan3A_14, %mul3A_41 : i32
      %swap3A = arith.index_cast %mul3A_42 : i32 to index
      %swap3A_43 = tpu.vector_load %arg6[%swap3A] {strides = array<i32>} : memref<25600xi32, #tpu.memory_space<vmem>>, vector<16xi32>,
      tpu.vector_store %arg6[%swap3A], %sub3A {strides = array<i32>} : memref<25600xi32, #tpu.memory_space<vmem>>, vector<16xi32>,
    }
    %scan3A_7 = arith.constant 1600 : i32
    %scan3A_8 = arith.constant 0 : i32
    %scan3A_9 = arith.constant 0 : i32
    %scan3A_10 = arith.constant 25 : i32
    %scan3A_11 = arith.addi %scan3A_9, %scan3A_10 : i32
    %scan3A_12 = arith.constant 1 : i32
    scf.for %scan3A_14 = %scan3A_9 to %scan3A_11 step %scan3A_12  : i32 {
      %mul3A_15 = arith.constant 1024 : i32
      %mul3A_16 = arith.muli %scan3A_14, %mul3A_15 : i32
      %multiple_of3A = tpu.assume_multiple %mul3A_16, 1024 : i32
      %dma_start3A = tpu.memref_slice %arg6[%multiple_of3A] : memref<25600xi32, #tpu.memory_space<vmem>> -> memref<1024xi32, #tpu.memory_space<vmem>>
      %dma_start3A_17 = arith.constant 0 : i32
      %dma_start3A_18 = arith.constant 0 : i32
      %dma_start3A_19 = tpu.memref_slice %arg2[%dma_start3A_17, %dma_start3A_18] : memref<1081344x64xf32, #tpu.memory_space<hbm>> -> memref<1081344x64xf32, #tpu.memory_space<hbm>>
      tpu.enqueue_indirect_dma source(%dma_start3A_19 : memref<1081344x64xf32, #tpu.memory_space<hbm>>) target(%arg7 : memref<1024x64xf32, #tpu.memory_space<vmem>>) offsets(%dma_start3A : memref<1024xi32, #tpu.memory_space<vmem>>) semaphore(%arg8 : memref<!tpu.dma_semaphore, #tpu.memory_space<semaphore_mem>>)
      %dma_wait3A = tpu.memref_slice %arg6[%multiple_of3A] : memref<25600xi32, #tpu.memory_space<vmem>> -> memref<1024xi32, #tpu.memory_space<vmem>>
      %dma_wait3A_20 = arith.constant 0 : i32
      %dma_wait3A_21 = arith.constant 0 : i32
      %dma_wait3A_22 = tpu.memref_slice %arg2[%dma_wait3A_20, %dma_wait3A_21] : memref<1081344x64xf32, #tpu.memory_space<hbm>> -> memref<1081344x64xf32, #tpu.memory_space<hbm>>
      tpu.wait_indirect_dma semaphore(%arg8 : memref<!tpu.dma_semaphore, #tpu.memory_space<semaphore_mem>>) src(%dma_wait3A_22 : memref<1081344x64xf32, #tpu.memory_space<hbm>>) dst(%arg7 : memref<1024x64xf32, #tpu.memory_space<vmem>>)
      %mul3A_23 = arith.constant 2 : i32
      %mul3A_24 = arith.muli %mul3A_23, %mul3A_2 : i32
      %dma_start3A_25 = arith.constant 0 : i32
      %dma_start3A_26 = tpu.memref_slice %arg4[%scan3A_14, %mul3A_24, %dma_start3A_25] : memref<25x32768x64xf32, #tpu.memory_space<hbm>> -> memref<1x1024x64xf32, #tpu.memory_space<hbm>>
      %dma_start3A_27 = tpu.memref_squeeze %dma_start3A_26 : memref<1x1024x64xf32, #tpu.memory_space<hbm>> -> memref<1024x64xf32, #tpu.memory_space<hbm>>
      %dma_start3A_28 = arith.constant 0 : i32
      %dma_start3A_29 = tpu.memref_slice %arg4[%scan3A_14, %mul3A_24, %dma_start3A_28] : memref<25x32768x64xf32, #tpu.memory_space<hbm>> -> memref<1x1024x64xf32, #tpu.memory_space<hbm>>
      %dma_start3A_30 = tpu.memref_squeeze %dma_start3A_29 : memref<1x1024x64xf32, #tpu.memory_space<hbm>> -> memref<1024x64xf32, #tpu.memory_space<hbm>>
      tpu.enqueue_dma source(%arg7 : memref<1024x64xf32, #tpu.memory_space<vmem>>) target(%dma_start3A_30 : memref<1024x64xf32, #tpu.memory_space<hbm>>) target_semaphore(%arg9 : memref<!tpu.dma_semaphore, #tpu.memory_space<semaphore_mem>>)
      %dma_wait3A_31 = arith.constant 0 : i32
      %dma_wait3A_32 = tpu.memref_slice %arg4[%scan3A_14, %mul3A_24, %dma_wait3A_31] : memref<25x32768x64xf32, #tpu.memory_space<hbm>> -> memref<1x1024x64xf32, #tpu.memory_space<hbm>>
      %dma_wait3A_33 = tpu.memref_squeeze %dma_wait3A_32 : memref<1x1024x64xf32, #tpu.memory_space<hbm>> -> memref<1024x64xf32, #tpu.memory_space<hbm>>
      %dma_wait3A_34 = arith.constant 0 : i32
      %dma_wait3A_35 = tpu.memref_slice %arg4[%scan3A_14, %mul3A_24, %dma_wait3A_34] : memref<25x32768x64xf32, #tpu.memory_space<hbm>> -> memref<1x1024x64xf32, #tpu.memory_space<hbm>>
      %dma_wait3A_36 = tpu.memref_squeeze %dma_wait3A_35 : memref<1x1024x64xf32, #tpu.memory_space<hbm>> -> memref<1024x64xf32, #tpu.memory_space<hbm>>
      tpu.wait_dma2 semaphore(%arg9 : memref<!tpu.dma_semaphore, #tpu.memory_space<semaphore_mem>>) src(%arg7 : memref<1024x64xf32, #tpu.memory_space<vmem>>) dst(%dma_wait3A_36 : memref<1024x64xf32, #tpu.memory_space<hbm>>)
    }
    %scan3A_13 = arith.constant 25 : i32
    return
  }
}

module attributes {stable_mosaic.version = 14 : i64} {
  func.func @_tf_body(%arg0: i32, %arg1: memref<64x16384xf32, #tpu.memory_space<vmem>>, %arg2: memref<64x16384xf32, #tpu.memory_space<vmem>>, %arg3: memref<64x64xf32, #tpu.memory_space<vmem>>, %arg4: memref<16384x128xf32, #tpu.memory_space<vmem>>) attributes {dimension_semantics = [#tpu.dimension_semantics<arbitrary>], iteration_bounds = array<i64: 33>, scalar_prefetch = 0 : i64, scratch_operands = 0 : i64, tpu.core_type = #tpu.core_type<tc>, window_params = [{transform_indices = @transform_0, window_bounds = array<i64: 64, 16384>}, {transform_indices = @transform_1, window_bounds = array<i64: 64, 16384>}, {pipeline_mode = #tpu.pipeline_mode<synchronous>, transform_indices = @transform_2, window_bounds = array<i64: 64, 64>}, {transform_indices = @transform_3, window_bounds = array<i64: 16384, 128>}]} {
    %get3A = arith.constant 0 : index
    %get3A_0 = arith.constant 0 : index
    %get3A_1 = vector.load %arg1[%get3A, %get3A_0] : memref<64x16384xf32, #tpu.memory_space<vmem>>, vector<64x16384xf32>
    %get3A_2 = arith.constant 0 : index
    %get3A_3 = arith.constant 0 : index
    %get3A_4 = vector.load %arg3[%get3A_2, %get3A_3] : memref<64x64xf32, #tpu.memory_space<vmem>>, vector<64x64xf32>
    %dot_general3A = arith.constant dense<0.000000e+00> : vector<16384x64xf32>
    %dot_general3A_5 = tpu.matmul %get3A_1, %get3A_4, %dot_general3A {dimension_numbers = #tpu.dot_dimension_numbers<[0], [0], [1], [1], [0, 1, 1, 1], [], []>, transpose_lhs_hint = false} : vector<64x16384xf32>, vector<64x64xf32>, vector<16384x64xf32> -> vector<16384x64xf32>
    %get3A_6 = arith.constant 0 : index
    %get3A_7 = arith.constant 0 : index
    %get3A_8 = vector.load %arg2[%get3A_6, %get3A_7] : memref<64x16384xf32, #tpu.memory_space<vmem>>, vector<64x16384xf32>
    %get3A_9 = arith.constant 0 : index
    %get3A_10 = arith.constant 0 : index
    %get3A_11 = vector.load %arg3[%get3A_9, %get3A_10] : memref<64x64xf32, #tpu.memory_space<vmem>>, vector<64x64xf32>
    %dot_general3A_12 = arith.constant dense<0.000000e+00> : vector<16384x64xf32>
    %dot_general3A_13 = tpu.matmul %get3A_8, %get3A_11, %dot_general3A_12 {dimension_numbers = #tpu.dot_dimension_numbers<[0], [0], [1], [1], [0, 1, 1, 1], [], []>, transpose_lhs_hint = false} : vector<64x16384xf32>, vector<64x64xf32>, vector<16384x64xf32> -> vector<16384x64xf32>
    %concatenate3A = tpu.concatenate %dot_general3A_5, %dot_general3A_13 in 1 : vector<16384x64xf32>, vector<16384x64xf32> -> vector<16384x128xf32>
    %max3A = arith.constant 0.000000e+00 : f32
    %max3A_14 = vector.broadcast %max3A : f32 to vector<16384x128xf32>
    %max3A_15 = arith.maximumf %concatenate3A, %max3A_14 : vector<16384x128xf32>
    %swap3A = arith.constant 0 : index
    %swap3A_16 = arith.constant 0 : index
    %swap3A_17 = vector.load %arg4[%swap3A, %swap3A_16] : memref<16384x128xf32, #tpu.memory_space<vmem>>, vector<16384x128xf32>
    tpu.vector_store %arg4[%swap3A, %swap3A_16], %max3A_15 {strides = array<i32>} : memref<16384x128xf32, #tpu.memory_space<vmem>>, vector<16384x128xf32>,
    return
  }
  func.func @transform_0(%arg0: i32) -> (i32, i32) {
    %c0_i32 = arith.constant 0 : i32
    %c0_i32_0 = arith.constant 0 : i32
    return %c0_i32, %arg0 : i32, i32
  }
  func.func @transform_1(%arg0: i32) -> (i32, i32) {
    %add3A = arith.constant 29 : i32
    %add3A_0 = arith.addi %add3A, %arg0 : i32
    %c0_i32 = arith.constant 0 : i32
    %c0_i32_1 = arith.constant 0 : i32
    return %c0_i32, %add3A_0 : i32, i32
  }
  func.func @transform_2(%arg0: i32) -> (i32, i32) {
    %c0_i32 = arith.constant 0 : i32
    %c0_i32_0 = arith.constant 0 : i32
    %c0_i32_1 = arith.constant 0 : i32
    return %c0_i32, %c0_i32_0 : i32, i32
  }
  func.func @transform_3(%arg0: i32) -> (i32, i32) {
    %c0_i32 = arith.constant 0 : i32
    %c0_i32_0 = arith.constant 0 : i32
    return %arg0, %c0_i32 : i32, i32
  }
}

module attributes {stable_mosaic.version = 14 : i64} {
  func.func @_tr_body(%arg0: i32, %arg1: memref<25x1024x128xf32, #tpu.memory_space<vmem>>, %arg2: memref<50x64x1024xf32, #tpu.memory_space<vmem>>) attributes {dimension_semantics = [#tpu.dimension_semantics<arbitrary>], iteration_bounds = array<i64: 16>, scalar_prefetch = 0 : i64, scratch_operands = 0 : i64, tpu.core_type = #tpu.core_type<tc>, window_params = [{transform_indices = @transform_0, window_bounds = array<i64: 25, 1024, 128>}, {transform_indices = @transform_1, window_bounds = array<i64: 50, 64, 1024>}]} {
    %get3A = arith.constant 0 : index
    %get3A_0 = arith.constant 0 : index
    %get3A_1 = arith.constant 0 : index
    %get3A_2 = vector.load %arg1[%get3A, %get3A_0, %get3A_1] : memref<25x1024x128xf32, #tpu.memory_space<vmem>>, vector<25x1024x128xf32>
    %reshape3A = vector.shape_cast %get3A_2 : vector<25x1024x128xf32> to vector<25600x128xf32>
    %slice3A = vector.extract_strided_slice %reshape3A {offsets = [0, 0], sizes = [1024, 128], strides = [1, 1]} : vector<25600x128xf32> to vector<1024x128xf32>
    %slice3A_3 = vector.extract_strided_slice %slice3A {offsets = [0, 0], sizes = [1024, 64], strides = [1, 1]} : vector<1024x128xf32> to vector<1024x64xf32>
    %transpose3A = tpu.transpose %slice3A_3, [1, 0] : vector<1024x64xf32> -> vector<64x1024xf32>
    %swap3A = arith.constant 0 : index
    %swap3A_4 = arith.constant 0 : index
    %swap3A_5 = arith.constant 0 : index
    %swap3A_6 = vector.load %arg2[%swap3A, %swap3A_4, %swap3A_5] : memref<50x64x1024xf32, #tpu.memory_space<vmem>>, vector<1x64x1024xf32>
    %swap3A_7 = vector.shape_cast %swap3A_6 : vector<1x64x1024xf32> to vector<64x1024xf32>
    %swap3A_8 = vector.shape_cast %transpose3A : vector<64x1024xf32> to vector<1x64x1024xf32>
    tpu.vector_store %arg2[%swap3A, %swap3A_4, %swap3A_5], %swap3A_8 {strides = array<i32>} : memref<50x64x1024xf32, #tpu.memory_space<vmem>>, vector<1x64x1024xf32>,
    %slice3A_9 = vector.extract_strided_slice %slice3A {offsets = [0, 64], sizes = [1024, 64], strides = [1, 1]} : vector<1024x128xf32> to vector<1024x64xf32>
    %transpose3A_10 = tpu.transpose %slice3A_9, [1, 0] : vector<1024x64xf32> -> vector<64x1024xf32>
    %swap3A_11 = arith.constant 1 : index
    %swap3A_12 = arith.constant 0 : index
    %swap3A_13 = arith.constant 0 : index
    %swap3A_14 = vector.load %arg2[%swap3A_11, %swap3A_12, %swap3A_13] : memref<50x64x1024xf32, #tpu.memory_space<vmem>>, vector<1x64x1024xf32>
    %swap3A_15 = vector.shape_cast %swap3A_14 : vector<1x64x1024xf32> to vector<64x1024xf32>
    %swap3A_16 = vector.shape_cast %transpose3A_10 : vector<64x1024xf32> to vector<1x64x1024xf32>
    tpu.vector_store %arg2[%swap3A_11, %swap3A_12, %swap3A_13], %swap3A_16 {strides = array<i32>} : memref<50x64x1024xf32, #tpu.memory_space<vmem>>, vector<1x64x1024xf32>,
    %slice3A_17 = vector.extract_strided_slice %reshape3A {offsets = [1024, 0], sizes = [1024, 128], strides = [1, 1]} : vector<25600x128xf32> to vector<1024x128xf32>
    %slice3A_18 = vector.extract_strided_slice %slice3A_17 {offsets = [0, 0], sizes = [1024, 64], strides = [1, 1]} : vector<1024x128xf32> to vector<1024x64xf32>
    %transpose3A_19 = tpu.transpose %slice3A_18, [1, 0] : vector<1024x64xf32> -> vector<64x1024xf32>
    %swap3A_20 = arith.constant 2 : index
    %swap3A_21 = arith.constant 0 : index
    %swap3A_22 = arith.constant 0 : index
    %swap3A_23 = vector.load %arg2[%swap3A_20, %swap3A_21, %swap3A_22] : memref<50x64x1024xf32, #tpu.memory_space<vmem>>, vector<1x64x1024xf32>
    %swap3A_24 = vector.shape_cast %swap3A_23 : vector<1x64x1024xf32> to vector<64x1024xf32>
    %swap3A_25 = vector.shape_cast %transpose3A_19 : vector<64x1024xf32> to vector<1x64x1024xf32>
    tpu.vector_store %arg2[%swap3A_20, %swap3A_21, %swap3A_22], %swap3A_25 {strides = array<i32>} : memref<50x64x1024xf32, #tpu.memory_space<vmem>>, vector<1x64x1024xf32>,
    %slice3A_26 = vector.extract_strided_slice %slice3A_17 {offsets = [0, 64], sizes = [1024, 64], strides = [1, 1]} : vector<1024x128xf32> to vector<1024x64xf32>
    %transpose3A_27 = tpu.transpose %slice3A_26, [1, 0] : vector<1024x64xf32> -> vector<64x1024xf32>
    %swap3A_28 = arith.constant 3 : index
    %swap3A_29 = arith.constant 0 : index
    %swap3A_30 = arith.constant 0 : index
    %swap3A_31 = vector.load %arg2[%swap3A_28, %swap3A_29, %swap3A_30] : memref<50x64x1024xf32, #tpu.memory_space<vmem>>, vector<1x64x1024xf32>
    %swap3A_32 = vector.shape_cast %swap3A_31 : vector<1x64x1024xf32> to vector<64x1024xf32>
    %swap3A_33 = vector.shape_cast %transpose3A_27 : vector<64x1024xf32> to vector<1x64x1024xf32>
    tpu.vector_store %arg2[%swap3A_28, %swap3A_29, %swap3A_30], %swap3A_33 {strides = array<i32>} : memref<50x64x1024xf32, #tpu.memory_space<vmem>>, vector<1x64x1024xf32>,
    %slice3A_34 = vector.extract_strided_slice %reshape3A {offsets = [2048, 0], sizes = [1024, 128], strides = [1, 1]} : vector<25600x128xf32> to vector<1024x128xf32>
    %slice3A_35 = vector.extract_strided_slice %slice3A_34 {offsets = [0, 0], sizes = [1024, 64], strides = [1, 1]} : vector<1024x128xf32> to vector<1024x64xf32>
    %transpose3A_36 = tpu.transpose %slice3A_35, [1, 0] : vector<1024x64xf32> -> vector<64x1024xf32>
    %swap3A_37 = arith.constant 4 : index
    %swap3A_38 = arith.constant 0 : index
    %swap3A_39 = arith.constant 0 : index
    %swap3A_40 = vector.load %arg2[%swap3A_37, %swap3A_38, %swap3A_39] : memref<50x64x1024xf32, #tpu.memory_space<vmem>>, vector<1x64x1024xf32>
    %swap3A_41 = vector.shape_cast %swap3A_40 : vector<1x64x1024xf32> to vector<64x1024xf32>
    %swap3A_42 = vector.shape_cast %transpose3A_36 : vector<64x1024xf32> to vector<1x64x1024xf32>
    tpu.vector_store %arg2[%swap3A_37, %swap3A_38, %swap3A_39], %swap3A_42 {strides = array<i32>} : memref<50x64x1024xf32, #tpu.memory_space<vmem>>, vector<1x64x1024xf32>,
    %slice3A_43 = vector.extract_strided_slice %slice3A_34 {offsets = [0, 64], sizes = [1024, 64], strides = [1, 1]} : vector<1024x128xf32> to vector<1024x64xf32>
    %transpose3A_44 = tpu.transpose %slice3A_43, [1, 0] : vector<1024x64xf32> -> vector<64x1024xf32>
    %swap3A_45 = arith.constant 5 : index
    %swap3A_46 = arith.constant 0 : index
    %swap3A_47 = arith.constant 0 : index
    %swap3A_48 = vector.load %arg2[%swap3A_45, %swap3A_46, %swap3A_47] : memref<50x64x1024xf32, #tpu.memory_space<vmem>>, vector<1x64x1024xf32>
    %swap3A_49 = vector.shape_cast %swap3A_48 : vector<1x64x1024xf32> to vector<64x1024xf32>
    %swap3A_50 = vector.shape_cast %transpose3A_44 : vector<64x1024xf32> to vector<1x64x1024xf32>
    tpu.vector_store %arg2[%swap3A_45, %swap3A_46, %swap3A_47], %swap3A_50 {strides = array<i32>} : memref<50x64x1024xf32, #tpu.memory_space<vmem>>, vector<1x64x1024xf32>,
    %slice3A_51 = vector.extract_strided_slice %reshape3A {offsets = [3072, 0], sizes = [1024, 128], strides = [1, 1]} : vector<25600x128xf32> to vector<1024x128xf32>
    %slice3A_52 = vector.extract_strided_slice %slice3A_51 {offsets = [0, 0], sizes = [1024, 64], strides = [1, 1]} : vector<1024x128xf32> to vector<1024x64xf32>
    %transpose3A_53 = tpu.transpose %slice3A_52, [1, 0] : vector<1024x64xf32> -> vector<64x1024xf32>
    %swap3A_54 = arith.constant 6 : index
    %swap3A_55 = arith.constant 0 : index
    %swap3A_56 = arith.constant 0 : index
    %swap3A_57 = vector.load %arg2[%swap3A_54, %swap3A_55, %swap3A_56] : memref<50x64x1024xf32, #tpu.memory_space<vmem>>, vector<1x64x1024xf32>
    %swap3A_58 = vector.shape_cast %swap3A_57 : vector<1x64x1024xf32> to vector<64x1024xf32>
    %swap3A_59 = vector.shape_cast %transpose3A_53 : vector<64x1024xf32> to vector<1x64x1024xf32>
    tpu.vector_store %arg2[%swap3A_54, %swap3A_55, %swap3A_56], %swap3A_59 {strides = array<i32>} : memref<50x64x1024xf32, #tpu.memory_space<vmem>>, vector<1x64x1024xf32>,
    %slice3A_60 = vector.extract_strided_slice %slice3A_51 {offsets = [0, 64], sizes = [1024, 64], strides = [1, 1]} : vector<1024x128xf32> to vector<1024x64xf32>
    %transpose3A_61 = tpu.transpose %slice3A_60, [1, 0] : vector<1024x64xf32> -> vector<64x1024xf32>
    %swap3A_62 = arith.constant 7 : index
    %swap3A_63 = arith.constant 0 : index
    %swap3A_64 = arith.constant 0 : index
    %swap3A_65 = vector.load %arg2[%swap3A_62, %swap3A_63, %swap3A_64] : memref<50x64x1024xf32, #tpu.memory_space<vmem>>, vector<1x64x1024xf32>
    %swap3A_66 = vector.shape_cast %swap3A_65 : vector<1x64x1024xf32> to vector<64x1024xf32>
    %swap3A_67 = vector.shape_cast %transpose3A_61 : vector<64x1024xf32> to vector<1x64x1024xf32>
    tpu.vector_store %arg2[%swap3A_62, %swap3A_63, %swap3A_64], %swap3A_67 {strides = array<i32>} : memref<50x64x1024xf32, #tpu.memory_space<vmem>>, vector<1x64x1024xf32>,
    %slice3A_68 = vector.extract_strided_slice %reshape3A {offsets = [4096, 0], sizes = [1024, 128], strides = [1, 1]} : vector<25600x128xf32> to vector<1024x128xf32>
    %slice3A_69 = vector.extract_strided_slice %slice3A_68 {offsets = [0, 0], sizes = [1024, 64], strides = [1, 1]} : vector<1024x128xf32> to vector<1024x64xf32>
    %transpose3A_70 = tpu.transpose %slice3A_69, [1, 0] : vector<1024x64xf32> -> vector<64x1024xf32>
    %swap3A_71 = arith.constant 8 : index
    %swap3A_72 = arith.constant 0 : index
    %swap3A_73 = arith.constant 0 : index
    %swap3A_74 = vector.load %arg2[%swap3A_71, %swap3A_72, %swap3A_73] : memref<50x64x1024xf32, #tpu.memory_space<vmem>>, vector<1x64x1024xf32>
    %swap3A_75 = vector.shape_cast %swap3A_74 : vector<1x64x1024xf32> to vector<64x1024xf32>
    %swap3A_76 = vector.shape_cast %transpose3A_70 : vector<64x1024xf32> to vector<1x64x1024xf32>
    tpu.vector_store %arg2[%swap3A_71, %swap3A_72, %swap3A_73], %swap3A_76 {strides = array<i32>} : memref<50x64x1024xf32, #tpu.memory_space<vmem>>, vector<1x64x1024xf32>,
    %slice3A_77 = vector.extract_strided_slice %slice3A_68 {offsets = [0, 64], sizes = [1024, 64], strides = [1, 1]} : vector<1024x128xf32> to vector<1024x64xf32>
    %transpose3A_78 = tpu.transpose %slice3A_77, [1, 0] : vector<1024x64xf32> -> vector<64x1024xf32>
    %swap3A_79 = arith.constant 9 : index
    %swap3A_80 = arith.constant 0 : index
    %swap3A_81 = arith.constant 0 : index
    %swap3A_82 = vector.load %arg2[%swap3A_79, %swap3A_80, %swap3A_81] : memref<50x64x1024xf32, #tpu.memory_space<vmem>>, vector<1x64x1024xf32>
    %swap3A_83 = vector.shape_cast %swap3A_82 : vector<1x64x1024xf32> to vector<64x1024xf32>
    %swap3A_84 = vector.shape_cast %transpose3A_78 : vector<64x1024xf32> to vector<1x64x1024xf32>
    tpu.vector_store %arg2[%swap3A_79, %swap3A_80, %swap3A_81], %swap3A_84 {strides = array<i32>} : memref<50x64x1024xf32, #tpu.memory_space<vmem>>, vector<1x64x1024xf32>,
    %slice3A_85 = vector.extract_strided_slice %reshape3A {offsets = [5120, 0], sizes = [1024, 128], strides = [1, 1]} : vector<25600x128xf32> to vector<1024x128xf32>
    %slice3A_86 = vector.extract_strided_slice %slice3A_85 {offsets = [0, 0], sizes = [1024, 64], strides = [1, 1]} : vector<1024x128xf32> to vector<1024x64xf32>
    %transpose3A_87 = tpu.transpose %slice3A_86, [1, 0] : vector<1024x64xf32> -> vector<64x1024xf32>
    %swap3A_88 = arith.constant 10 : index
    %swap3A_89 = arith.constant 0 : index
    %swap3A_90 = arith.constant 0 : index
    %swap3A_91 = vector.load %arg2[%swap3A_88, %swap3A_89, %swap3A_90] : memref<50x64x1024xf32, #tpu.memory_space<vmem>>, vector<1x64x1024xf32>
    %swap3A_92 = vector.shape_cast %swap3A_91 : vector<1x64x1024xf32> to vector<64x1024xf32>
    %swap3A_93 = vector.shape_cast %transpose3A_87 : vector<64x1024xf32> to vector<1x64x1024xf32>
    tpu.vector_store %arg2[%swap3A_88, %swap3A_89, %swap3A_90], %swap3A_93 {strides = array<i32>} : memref<50x64x1024xf32, #tpu.memory_space<vmem>>, vector<1x64x1024xf32>,
    %slice3A_94 = vector.extract_strided_slice %slice3A_85 {offsets = [0, 64], sizes = [1024, 64], strides = [1, 1]} : vector<1024x128xf32> to vector<1024x64xf32>
    %transpose3A_95 = tpu.transpose %slice3A_94, [1, 0] : vector<1024x64xf32> -> vector<64x1024xf32>
    %swap3A_96 = arith.constant 11 : index
    %swap3A_97 = arith.constant 0 : index
    %swap3A_98 = arith.constant 0 : index
    %swap3A_99 = vector.load %arg2[%swap3A_96, %swap3A_97, %swap3A_98] : memref<50x64x1024xf32, #tpu.memory_space<vmem>>, vector<1x64x1024xf32>
    %swap3A_100 = vector.shape_cast %swap3A_99 : vector<1x64x1024xf32> to vector<64x1024xf32>
    %swap3A_101 = vector.shape_cast %transpose3A_95 : vector<64x1024xf32> to vector<1x64x1024xf32>
    tpu.vector_store %arg2[%swap3A_96, %swap3A_97, %swap3A_98], %swap3A_101 {strides = array<i32>} : memref<50x64x1024xf32, #tpu.memory_space<vmem>>, vector<1x64x1024xf32>,
    %slice3A_102 = vector.extract_strided_slice %reshape3A {offsets = [6144, 0], sizes = [1024, 128], strides = [1, 1]} : vector<25600x128xf32> to vector<1024x128xf32>
    %slice3A_103 = vector.extract_strided_slice %slice3A_102 {offsets = [0, 0], sizes = [1024, 64], strides = [1, 1]} : vector<1024x128xf32> to vector<1024x64xf32>
    %transpose3A_104 = tpu.transpose %slice3A_103, [1, 0] : vector<1024x64xf32> -> vector<64x1024xf32>
    %swap3A_105 = arith.constant 12 : index
    %swap3A_106 = arith.constant 0 : index
    %swap3A_107 = arith.constant 0 : index
    %swap3A_108 = vector.load %arg2[%swap3A_105, %swap3A_106, %swap3A_107] : memref<50x64x1024xf32, #tpu.memory_space<vmem>>, vector<1x64x1024xf32>
    %swap3A_109 = vector.shape_cast %swap3A_108 : vector<1x64x1024xf32> to vector<64x1024xf32>
    %swap3A_110 = vector.shape_cast %transpose3A_104 : vector<64x1024xf32> to vector<1x64x1024xf32>
    tpu.vector_store %arg2[%swap3A_105, %swap3A_106, %swap3A_107], %swap3A_110 {strides = array<i32>} : memref<50x64x1024xf32, #tpu.memory_space<vmem>>, vector<1x64x1024xf32>,
    %slice3A_111 = vector.extract_strided_slice %slice3A_102 {offsets = [0, 64], sizes = [1024, 64], strides = [1, 1]} : vector<1024x128xf32> to vector<1024x64xf32>
    %transpose3A_112 = tpu.transpose %slice3A_111, [1, 0] : vector<1024x64xf32> -> vector<64x1024xf32>
    %swap3A_113 = arith.constant 13 : index
    %swap3A_114 = arith.constant 0 : index
    %swap3A_115 = arith.constant 0 : index
    %swap3A_116 = vector.load %arg2[%swap3A_113, %swap3A_114, %swap3A_115] : memref<50x64x1024xf32, #tpu.memory_space<vmem>>, vector<1x64x1024xf32>
    %swap3A_117 = vector.shape_cast %swap3A_116 : vector<1x64x1024xf32> to vector<64x1024xf32>
    %swap3A_118 = vector.shape_cast %transpose3A_112 : vector<64x1024xf32> to vector<1x64x1024xf32>
    tpu.vector_store %arg2[%swap3A_113, %swap3A_114, %swap3A_115], %swap3A_118 {strides = array<i32>} : memref<50x64x1024xf32, #tpu.memory_space<vmem>>, vector<1x64x1024xf32>,
    %slice3A_119 = vector.extract_strided_slice %reshape3A {offsets = [7168, 0], sizes = [1024, 128], strides = [1, 1]} : vector<25600x128xf32> to vector<1024x128xf32>
    %slice3A_120 = vector.extract_strided_slice %slice3A_119 {offsets = [0, 0], sizes = [1024, 64], strides = [1, 1]} : vector<1024x128xf32> to vector<1024x64xf32>
    %transpose3A_121 = tpu.transpose %slice3A_120, [1, 0] : vector<1024x64xf32> -> vector<64x1024xf32>
    %swap3A_122 = arith.constant 14 : index
    %swap3A_123 = arith.constant 0 : index
    %swap3A_124 = arith.constant 0 : index
    %swap3A_125 = vector.load %arg2[%swap3A_122, %swap3A_123, %swap3A_124] : memref<50x64x1024xf32, #tpu.memory_space<vmem>>, vector<1x64x1024xf32>
    %swap3A_126 = vector.shape_cast %swap3A_125 : vector<1x64x1024xf32> to vector<64x1024xf32>
    %swap3A_127 = vector.shape_cast %transpose3A_121 : vector<64x1024xf32> to vector<1x64x1024xf32>
    tpu.vector_store %arg2[%swap3A_122, %swap3A_123, %swap3A_124], %swap3A_127 {strides = array<i32>} : memref<50x64x1024xf32, #tpu.memory_space<vmem>>, vector<1x64x1024xf32>,
    %slice3A_128 = vector.extract_strided_slice %slice3A_119 {offsets = [0, 64], sizes = [1024, 64], strides = [1, 1]} : vector<1024x128xf32> to vector<1024x64xf32>
    %transpose3A_129 = tpu.transpose %slice3A_128, [1, 0] : vector<1024x64xf32> -> vector<64x1024xf32>
    %swap3A_130 = arith.constant 15 : index
    %swap3A_131 = arith.constant 0 : index
    %swap3A_132 = arith.constant 0 : index
    %swap3A_133 = vector.load %arg2[%swap3A_130, %swap3A_131, %swap3A_132] : memref<50x64x1024xf32, #tpu.memory_space<vmem>>, vector<1x64x1024xf32>
    %swap3A_134 = vector.shape_cast %swap3A_133 : vector<1x64x1024xf32> to vector<64x1024xf32>
    %swap3A_135 = vector.shape_cast %transpose3A_129 : vector<64x1024xf32> to vector<1x64x1024xf32>
    tpu.vector_store %arg2[%swap3A_130, %swap3A_131, %swap3A_132], %swap3A_135 {strides = array<i32>} : memref<50x64x1024xf32, #tpu.memory_space<vmem>>, vector<1x64x1024xf32>,
    %slice3A_136 = vector.extract_strided_slice %reshape3A {offsets = [8192, 0], sizes = [1024, 128], strides = [1, 1]} : vector<25600x128xf32> to vector<1024x128xf32>
    %slice3A_137 = vector.extract_strided_slice %slice3A_136 {offsets = [0, 0], sizes = [1024, 64], strides = [1, 1]} : vector<1024x128xf32> to vector<1024x64xf32>
    %transpose3A_138 = tpu.transpose %slice3A_137, [1, 0] : vector<1024x64xf32> -> vector<64x1024xf32>
    %swap3A_139 = arith.constant 16 : index
    %swap3A_140 = arith.constant 0 : index
    %swap3A_141 = arith.constant 0 : index
    %swap3A_142 = vector.load %arg2[%swap3A_139, %swap3A_140, %swap3A_141] : memref<50x64x1024xf32, #tpu.memory_space<vmem>>, vector<1x64x1024xf32>
    %swap3A_143 = vector.shape_cast %swap3A_142 : vector<1x64x1024xf32> to vector<64x1024xf32>
    %swap3A_144 = vector.shape_cast %transpose3A_138 : vector<64x1024xf32> to vector<1x64x1024xf32>
    tpu.vector_store %arg2[%swap3A_139, %swap3A_140, %swap3A_141], %swap3A_144 {strides = array<i32>} : memref<50x64x1024xf32, #tpu.memory_space<vmem>>, vector<1x64x1024xf32>,
    %slice3A_145 = vector.extract_strided_slice %slice3A_136 {offsets = [0, 64], sizes = [1024, 64], strides = [1, 1]} : vector<1024x128xf32> to vector<1024x64xf32>
    %transpose3A_146 = tpu.transpose %slice3A_145, [1, 0] : vector<1024x64xf32> -> vector<64x1024xf32>
    %swap3A_147 = arith.constant 17 : index
    %swap3A_148 = arith.constant 0 : index
    %swap3A_149 = arith.constant 0 : index
    %swap3A_150 = vector.load %arg2[%swap3A_147, %swap3A_148, %swap3A_149] : memref<50x64x1024xf32, #tpu.memory_space<vmem>>, vector<1x64x1024xf32>
    %swap3A_151 = vector.shape_cast %swap3A_150 : vector<1x64x1024xf32> to vector<64x1024xf32>
    %swap3A_152 = vector.shape_cast %transpose3A_146 : vector<64x1024xf32> to vector<1x64x1024xf32>
    tpu.vector_store %arg2[%swap3A_147, %swap3A_148, %swap3A_149], %swap3A_152 {strides = array<i32>} : memref<50x64x1024xf32, #tpu.memory_space<vmem>>, vector<1x64x1024xf32>,
    %slice3A_153 = vector.extract_strided_slice %reshape3A {offsets = [9216, 0], sizes = [1024, 128], strides = [1, 1]} : vector<25600x128xf32> to vector<1024x128xf32>
    %slice3A_154 = vector.extract_strided_slice %slice3A_153 {offsets = [0, 0], sizes = [1024, 64], strides = [1, 1]} : vector<1024x128xf32> to vector<1024x64xf32>
    %transpose3A_155 = tpu.transpose %slice3A_154, [1, 0] : vector<1024x64xf32> -> vector<64x1024xf32>
    %swap3A_156 = arith.constant 18 : index
    %swap3A_157 = arith.constant 0 : index
    %swap3A_158 = arith.constant 0 : index
    %swap3A_159 = vector.load %arg2[%swap3A_156, %swap3A_157, %swap3A_158] : memref<50x64x1024xf32, #tpu.memory_space<vmem>>, vector<1x64x1024xf32>
    %swap3A_160 = vector.shape_cast %swap3A_159 : vector<1x64x1024xf32> to vector<64x1024xf32>
    %swap3A_161 = vector.shape_cast %transpose3A_155 : vector<64x1024xf32> to vector<1x64x1024xf32>
    tpu.vector_store %arg2[%swap3A_156, %swap3A_157, %swap3A_158], %swap3A_161 {strides = array<i32>} : memref<50x64x1024xf32, #tpu.memory_space<vmem>>, vector<1x64x1024xf32>,
    %slice3A_162 = vector.extract_strided_slice %slice3A_153 {offsets = [0, 64], sizes = [1024, 64], strides = [1, 1]} : vector<1024x128xf32> to vector<1024x64xf32>
    %transpose3A_163 = tpu.transpose %slice3A_162, [1, 0] : vector<1024x64xf32> -> vector<64x1024xf32>
    %swap3A_164 = arith.constant 19 : index
    %swap3A_165 = arith.constant 0 : index
    %swap3A_166 = arith.constant 0 : index
    %swap3A_167 = vector.load %arg2[%swap3A_164, %swap3A_165, %swap3A_166] : memref<50x64x1024xf32, #tpu.memory_space<vmem>>, vector<1x64x1024xf32>
    %swap3A_168 = vector.shape_cast %swap3A_167 : vector<1x64x1024xf32> to vector<64x1024xf32>
    %swap3A_169 = vector.shape_cast %transpose3A_163 : vector<64x1024xf32> to vector<1x64x1024xf32>
    tpu.vector_store %arg2[%swap3A_164, %swap3A_165, %swap3A_166], %swap3A_169 {strides = array<i32>} : memref<50x64x1024xf32, #tpu.memory_space<vmem>>, vector<1x64x1024xf32>,
    %slice3A_170 = vector.extract_strided_slice %reshape3A {offsets = [10240, 0], sizes = [1024, 128], strides = [1, 1]} : vector<25600x128xf32> to vector<1024x128xf32>
    %slice3A_171 = vector.extract_strided_slice %slice3A_170 {offsets = [0, 0], sizes = [1024, 64], strides = [1, 1]} : vector<1024x128xf32> to vector<1024x64xf32>
    %transpose3A_172 = tpu.transpose %slice3A_171, [1, 0] : vector<1024x64xf32> -> vector<64x1024xf32>
    %swap3A_173 = arith.constant 20 : index
    %swap3A_174 = arith.constant 0 : index
    %swap3A_175 = arith.constant 0 : index
    %swap3A_176 = vector.load %arg2[%swap3A_173, %swap3A_174, %swap3A_175] : memref<50x64x1024xf32, #tpu.memory_space<vmem>>, vector<1x64x1024xf32>
    %swap3A_177 = vector.shape_cast %swap3A_176 : vector<1x64x1024xf32> to vector<64x1024xf32>
    %swap3A_178 = vector.shape_cast %transpose3A_172 : vector<64x1024xf32> to vector<1x64x1024xf32>
    tpu.vector_store %arg2[%swap3A_173, %swap3A_174, %swap3A_175], %swap3A_178 {strides = array<i32>} : memref<50x64x1024xf32, #tpu.memory_space<vmem>>, vector<1x64x1024xf32>,
    %slice3A_179 = vector.extract_strided_slice %slice3A_170 {offsets = [0, 64], sizes = [1024, 64], strides = [1, 1]} : vector<1024x128xf32> to vector<1024x64xf32>
    %transpose3A_180 = tpu.transpose %slice3A_179, [1, 0] : vector<1024x64xf32> -> vector<64x1024xf32>
    %swap3A_181 = arith.constant 21 : index
    %swap3A_182 = arith.constant 0 : index
    %swap3A_183 = arith.constant 0 : index
    %swap3A_184 = vector.load %arg2[%swap3A_181, %swap3A_182, %swap3A_183] : memref<50x64x1024xf32, #tpu.memory_space<vmem>>, vector<1x64x1024xf32>
    %swap3A_185 = vector.shape_cast %swap3A_184 : vector<1x64x1024xf32> to vector<64x1024xf32>
    %swap3A_186 = vector.shape_cast %transpose3A_180 : vector<64x1024xf32> to vector<1x64x1024xf32>
    tpu.vector_store %arg2[%swap3A_181, %swap3A_182, %swap3A_183], %swap3A_186 {strides = array<i32>} : memref<50x64x1024xf32, #tpu.memory_space<vmem>>, vector<1x64x1024xf32>,
    %slice3A_187 = vector.extract_strided_slice %reshape3A {offsets = [11264, 0], sizes = [1024, 128], strides = [1, 1]} : vector<25600x128xf32> to vector<1024x128xf32>
    %slice3A_188 = vector.extract_strided_slice %slice3A_187 {offsets = [0, 0], sizes = [1024, 64], strides = [1, 1]} : vector<1024x128xf32> to vector<1024x64xf32>
    %transpose3A_189 = tpu.transpose %slice3A_188, [1, 0] : vector<1024x64xf32> -> vector<64x1024xf32>
    %swap3A_190 = arith.constant 22 : index
    %swap3A_191 = arith.constant 0 : index
    %swap3A_192 = arith.constant 0 : index
    %swap3A_193 = vector.load %arg2[%swap3A_190, %swap3A_191, %swap3A_192] : memref<50x64x1024xf32, #tpu.memory_space<vmem>>, vector<1x64x1024xf32>
    %swap3A_194 = vector.shape_cast %swap3A_193 : vector<1x64x1024xf32> to vector<64x1024xf32>
    %swap3A_195 = vector.shape_cast %transpose3A_189 : vector<64x1024xf32> to vector<1x64x1024xf32>
    tpu.vector_store %arg2[%swap3A_190, %swap3A_191, %swap3A_192], %swap3A_195 {strides = array<i32>} : memref<50x64x1024xf32, #tpu.memory_space<vmem>>, vector<1x64x1024xf32>,
    %slice3A_196 = vector.extract_strided_slice %slice3A_187 {offsets = [0, 64], sizes = [1024, 64], strides = [1, 1]} : vector<1024x128xf32> to vector<1024x64xf32>
    %transpose3A_197 = tpu.transpose %slice3A_196, [1, 0] : vector<1024x64xf32> -> vector<64x1024xf32>
    %swap3A_198 = arith.constant 23 : index
    %swap3A_199 = arith.constant 0 : index
    %swap3A_200 = arith.constant 0 : index
    %swap3A_201 = vector.load %arg2[%swap3A_198, %swap3A_199, %swap3A_200] : memref<50x64x1024xf32, #tpu.memory_space<vmem>>, vector<1x64x1024xf32>
    %swap3A_202 = vector.shape_cast %swap3A_201 : vector<1x64x1024xf32> to vector<64x1024xf32>
    %swap3A_203 = vector.shape_cast %transpose3A_197 : vector<64x1024xf32> to vector<1x64x1024xf32>
    tpu.vector_store %arg2[%swap3A_198, %swap3A_199, %swap3A_200], %swap3A_203 {strides = array<i32>} : memref<50x64x1024xf32, #tpu.memory_space<vmem>>, vector<1x64x1024xf32>,
    %slice3A_204 = vector.extract_strided_slice %reshape3A {offsets = [12288, 0], sizes = [1024, 128], strides = [1, 1]} : vector<25600x128xf32> to vector<1024x128xf32>
    %slice3A_205 = vector.extract_strided_slice %slice3A_204 {offsets = [0, 0], sizes = [1024, 64], strides = [1, 1]} : vector<1024x128xf32> to vector<1024x64xf32>
    %transpose3A_206 = tpu.transpose %slice3A_205, [1, 0] : vector<1024x64xf32> -> vector<64x1024xf32>
    %swap3A_207 = arith.constant 24 : index
    %swap3A_208 = arith.constant 0 : index
    %swap3A_209 = arith.constant 0 : index
    %swap3A_210 = vector.load %arg2[%swap3A_207, %swap3A_208, %swap3A_209] : memref<50x64x1024xf32, #tpu.memory_space<vmem>>, vector<1x64x1024xf32>
    %swap3A_211 = vector.shape_cast %swap3A_210 : vector<1x64x1024xf32> to vector<64x1024xf32>
    %swap3A_212 = vector.shape_cast %transpose3A_206 : vector<64x1024xf32> to vector<1x64x1024xf32>
    tpu.vector_store %arg2[%swap3A_207, %swap3A_208, %swap3A_209], %swap3A_212 {strides = array<i32>} : memref<50x64x1024xf32, #tpu.memory_space<vmem>>, vector<1x64x1024xf32>,
    %slice3A_213 = vector.extract_strided_slice %slice3A_204 {offsets = [0, 64], sizes = [1024, 64], strides = [1, 1]} : vector<1024x128xf32> to vector<1024x64xf32>
    %transpose3A_214 = tpu.transpose %slice3A_213, [1, 0] : vector<1024x64xf32> -> vector<64x1024xf32>
    %swap3A_215 = arith.constant 25 : index
    %swap3A_216 = arith.constant 0 : index
    %swap3A_217 = arith.constant 0 : index
    %swap3A_218 = vector.load %arg2[%swap3A_215, %swap3A_216, %swap3A_217] : memref<50x64x1024xf32, #tpu.memory_space<vmem>>, vector<1x64x1024xf32>
    %swap3A_219 = vector.shape_cast %swap3A_218 : vector<1x64x1024xf32> to vector<64x1024xf32>
    %swap3A_220 = vector.shape_cast %transpose3A_214 : vector<64x1024xf32> to vector<1x64x1024xf32>
    tpu.vector_store %arg2[%swap3A_215, %swap3A_216, %swap3A_217], %swap3A_220 {strides = array<i32>} : memref<50x64x1024xf32, #tpu.memory_space<vmem>>, vector<1x64x1024xf32>,
    %slice3A_221 = vector.extract_strided_slice %reshape3A {offsets = [13312, 0], sizes = [1024, 128], strides = [1, 1]} : vector<25600x128xf32> to vector<1024x128xf32>
    %slice3A_222 = vector.extract_strided_slice %slice3A_221 {offsets = [0, 0], sizes = [1024, 64], strides = [1, 1]} : vector<1024x128xf32> to vector<1024x64xf32>
    %transpose3A_223 = tpu.transpose %slice3A_222, [1, 0] : vector<1024x64xf32> -> vector<64x1024xf32>
    %swap3A_224 = arith.constant 26 : index
    %swap3A_225 = arith.constant 0 : index
    %swap3A_226 = arith.constant 0 : index
    %swap3A_227 = vector.load %arg2[%swap3A_224, %swap3A_225, %swap3A_226] : memref<50x64x1024xf32, #tpu.memory_space<vmem>>, vector<1x64x1024xf32>
    %swap3A_228 = vector.shape_cast %swap3A_227 : vector<1x64x1024xf32> to vector<64x1024xf32>
    %swap3A_229 = vector.shape_cast %transpose3A_223 : vector<64x1024xf32> to vector<1x64x1024xf32>
    tpu.vector_store %arg2[%swap3A_224, %swap3A_225, %swap3A_226], %swap3A_229 {strides = array<i32>} : memref<50x64x1024xf32, #tpu.memory_space<vmem>>, vector<1x64x1024xf32>,
    %slice3A_230 = vector.extract_strided_slice %slice3A_221 {offsets = [0, 64], sizes = [1024, 64], strides = [1, 1]} : vector<1024x128xf32> to vector<1024x64xf32>
    %transpose3A_231 = tpu.transpose %slice3A_230, [1, 0] : vector<1024x64xf32> -> vector<64x1024xf32>
    %swap3A_232 = arith.constant 27 : index
    %swap3A_233 = arith.constant 0 : index
    %swap3A_234 = arith.constant 0 : index
    %swap3A_235 = vector.load %arg2[%swap3A_232, %swap3A_233, %swap3A_234] : memref<50x64x1024xf32, #tpu.memory_space<vmem>>, vector<1x64x1024xf32>
    %swap3A_236 = vector.shape_cast %swap3A_235 : vector<1x64x1024xf32> to vector<64x1024xf32>
    %swap3A_237 = vector.shape_cast %transpose3A_231 : vector<64x1024xf32> to vector<1x64x1024xf32>
    tpu.vector_store %arg2[%swap3A_232, %swap3A_233, %swap3A_234], %swap3A_237 {strides = array<i32>} : memref<50x64x1024xf32, #tpu.memory_space<vmem>>, vector<1x64x1024xf32>,
    %slice3A_238 = vector.extract_strided_slice %reshape3A {offsets = [14336, 0], sizes = [1024, 128], strides = [1, 1]} : vector<25600x128xf32> to vector<1024x128xf32>
    %slice3A_239 = vector.extract_strided_slice %slice3A_238 {offsets = [0, 0], sizes = [1024, 64], strides = [1, 1]} : vector<1024x128xf32> to vector<1024x64xf32>
    %transpose3A_240 = tpu.transpose %slice3A_239, [1, 0] : vector<1024x64xf32> -> vector<64x1024xf32>
    %swap3A_241 = arith.constant 28 : index
    %swap3A_242 = arith.constant 0 : index
    %swap3A_243 = arith.constant 0 : index
    %swap3A_244 = vector.load %arg2[%swap3A_241, %swap3A_242, %swap3A_243] : memref<50x64x1024xf32, #tpu.memory_space<vmem>>, vector<1x64x1024xf32>
    %swap3A_245 = vector.shape_cast %swap3A_244 : vector<1x64x1024xf32> to vector<64x1024xf32>
    %swap3A_246 = vector.shape_cast %transpose3A_240 : vector<64x1024xf32> to vector<1x64x1024xf32>
    tpu.vector_store %arg2[%swap3A_241, %swap3A_242, %swap3A_243], %swap3A_246 {strides = array<i32>} : memref<50x64x1024xf32, #tpu.memory_space<vmem>>, vector<1x64x1024xf32>,
    %slice3A_247 = vector.extract_strided_slice %slice3A_238 {offsets = [0, 64], sizes = [1024, 64], strides = [1, 1]} : vector<1024x128xf32> to vector<1024x64xf32>
    %transpose3A_248 = tpu.transpose %slice3A_247, [1, 0] : vector<1024x64xf32> -> vector<64x1024xf32>
    %swap3A_249 = arith.constant 29 : index
    %swap3A_250 = arith.constant 0 : index
    %swap3A_251 = arith.constant 0 : index
    %swap3A_252 = vector.load %arg2[%swap3A_249, %swap3A_250, %swap3A_251] : memref<50x64x1024xf32, #tpu.memory_space<vmem>>, vector<1x64x1024xf32>
    %swap3A_253 = vector.shape_cast %swap3A_252 : vector<1x64x1024xf32> to vector<64x1024xf32>
    %swap3A_254 = vector.shape_cast %transpose3A_248 : vector<64x1024xf32> to vector<1x64x1024xf32>
    tpu.vector_store %arg2[%swap3A_249, %swap3A_250, %swap3A_251], %swap3A_254 {strides = array<i32>} : memref<50x64x1024xf32, #tpu.memory_space<vmem>>, vector<1x64x1024xf32>,
    %slice3A_255 = vector.extract_strided_slice %reshape3A {offsets = [15360, 0], sizes = [1024, 128], strides = [1, 1]} : vector<25600x128xf32> to vector<1024x128xf32>
    %slice3A_256 = vector.extract_strided_slice %slice3A_255 {offsets = [0, 0], sizes = [1024, 64], strides = [1, 1]} : vector<1024x128xf32> to vector<1024x64xf32>
    %transpose3A_257 = tpu.transpose %slice3A_256, [1, 0] : vector<1024x64xf32> -> vector<64x1024xf32>
    %swap3A_258 = arith.constant 30 : index
    %swap3A_259 = arith.constant 0 : index
    %swap3A_260 = arith.constant 0 : index
    %swap3A_261 = vector.load %arg2[%swap3A_258, %swap3A_259, %swap3A_260] : memref<50x64x1024xf32, #tpu.memory_space<vmem>>, vector<1x64x1024xf32>
    %swap3A_262 = vector.shape_cast %swap3A_261 : vector<1x64x1024xf32> to vector<64x1024xf32>
    %swap3A_263 = vector.shape_cast %transpose3A_257 : vector<64x1024xf32> to vector<1x64x1024xf32>
    tpu.vector_store %arg2[%swap3A_258, %swap3A_259, %swap3A_260], %swap3A_263 {strides = array<i32>} : memref<50x64x1024xf32, #tpu.memory_space<vmem>>, vector<1x64x1024xf32>,
    %slice3A_264 = vector.extract_strided_slice %slice3A_255 {offsets = [0, 64], sizes = [1024, 64], strides = [1, 1]} : vector<1024x128xf32> to vector<1024x64xf32>
    %transpose3A_265 = tpu.transpose %slice3A_264, [1, 0] : vector<1024x64xf32> -> vector<64x1024xf32>
    %swap3A_266 = arith.constant 31 : index
    %swap3A_267 = arith.constant 0 : index
    %swap3A_268 = arith.constant 0 : index
    %swap3A_269 = vector.load %arg2[%swap3A_266, %swap3A_267, %swap3A_268] : memref<50x64x1024xf32, #tpu.memory_space<vmem>>, vector<1x64x1024xf32>
    %swap3A_270 = vector.shape_cast %swap3A_269 : vector<1x64x1024xf32> to vector<64x1024xf32>
    %swap3A_271 = vector.shape_cast %transpose3A_265 : vector<64x1024xf32> to vector<1x64x1024xf32>
    tpu.vector_store %arg2[%swap3A_266, %swap3A_267, %swap3A_268], %swap3A_271 {strides = array<i32>} : memref<50x64x1024xf32, #tpu.memory_space<vmem>>, vector<1x64x1024xf32>,
    %slice3A_272 = vector.extract_strided_slice %reshape3A {offsets = [16384, 0], sizes = [1024, 128], strides = [1, 1]} : vector<25600x128xf32> to vector<1024x128xf32>
    %slice3A_273 = vector.extract_strided_slice %slice3A_272 {offsets = [0, 0], sizes = [1024, 64], strides = [1, 1]} : vector<1024x128xf32> to vector<1024x64xf32>
    %transpose3A_274 = tpu.transpose %slice3A_273, [1, 0] : vector<1024x64xf32> -> vector<64x1024xf32>
    %swap3A_275 = arith.constant 32 : index
    %swap3A_276 = arith.constant 0 : index
    %swap3A_277 = arith.constant 0 : index
    %swap3A_278 = vector.load %arg2[%swap3A_275, %swap3A_276, %swap3A_277] : memref<50x64x1024xf32, #tpu.memory_space<vmem>>, vector<1x64x1024xf32>
    %swap3A_279 = vector.shape_cast %swap3A_278 : vector<1x64x1024xf32> to vector<64x1024xf32>
    %swap3A_280 = vector.shape_cast %transpose3A_274 : vector<64x1024xf32> to vector<1x64x1024xf32>
    tpu.vector_store %arg2[%swap3A_275, %swap3A_276, %swap3A_277], %swap3A_280 {strides = array<i32>} : memref<50x64x1024xf32, #tpu.memory_space<vmem>>, vector<1x64x1024xf32>,
    %slice3A_281 = vector.extract_strided_slice %slice3A_272 {offsets = [0, 64], sizes = [1024, 64], strides = [1, 1]} : vector<1024x128xf32> to vector<1024x64xf32>
    %transpose3A_282 = tpu.transpose %slice3A_281, [1, 0] : vector<1024x64xf32> -> vector<64x1024xf32>
    %swap3A_283 = arith.constant 33 : index
    %swap3A_284 = arith.constant 0 : index
    %swap3A_285 = arith.constant 0 : index
    %swap3A_286 = vector.load %arg2[%swap3A_283, %swap3A_284, %swap3A_285] : memref<50x64x1024xf32, #tpu.memory_space<vmem>>, vector<1x64x1024xf32>
    %swap3A_287 = vector.shape_cast %swap3A_286 : vector<1x64x1024xf32> to vector<64x1024xf32>
    %swap3A_288 = vector.shape_cast %transpose3A_282 : vector<64x1024xf32> to vector<1x64x1024xf32>
    tpu.vector_store %arg2[%swap3A_283, %swap3A_284, %swap3A_285], %swap3A_288 {strides = array<i32>} : memref<50x64x1024xf32, #tpu.memory_space<vmem>>, vector<1x64x1024xf32>,
    %slice3A_289 = vector.extract_strided_slice %reshape3A {offsets = [17408, 0], sizes = [1024, 128], strides = [1, 1]} : vector<25600x128xf32> to vector<1024x128xf32>
    %slice3A_290 = vector.extract_strided_slice %slice3A_289 {offsets = [0, 0], sizes = [1024, 64], strides = [1, 1]} : vector<1024x128xf32> to vector<1024x64xf32>
    %transpose3A_291 = tpu.transpose %slice3A_290, [1, 0] : vector<1024x64xf32> -> vector<64x1024xf32>
    %swap3A_292 = arith.constant 34 : index
    %swap3A_293 = arith.constant 0 : index
    %swap3A_294 = arith.constant 0 : index
    %swap3A_295 = vector.load %arg2[%swap3A_292, %swap3A_293, %swap3A_294] : memref<50x64x1024xf32, #tpu.memory_space<vmem>>, vector<1x64x1024xf32>
    %swap3A_296 = vector.shape_cast %swap3A_295 : vector<1x64x1024xf32> to vector<64x1024xf32>
    %swap3A_297 = vector.shape_cast %transpose3A_291 : vector<64x1024xf32> to vector<1x64x1024xf32>
    tpu.vector_store %arg2[%swap3A_292, %swap3A_293, %swap3A_294], %swap3A_297 {strides = array<i32>} : memref<50x64x1024xf32, #tpu.memory_space<vmem>>, vector<1x64x1024xf32>,
    %slice3A_298 = vector.extract_strided_slice %slice3A_289 {offsets = [0, 64], sizes = [1024, 64], strides = [1, 1]} : vector<1024x128xf32> to vector<1024x64xf32>
    %transpose3A_299 = tpu.transpose %slice3A_298, [1, 0] : vector<1024x64xf32> -> vector<64x1024xf32>
    %swap3A_300 = arith.constant 35 : index
    %swap3A_301 = arith.constant 0 : index
    %swap3A_302 = arith.constant 0 : index
    %swap3A_303 = vector.load %arg2[%swap3A_300, %swap3A_301, %swap3A_302] : memref<50x64x1024xf32, #tpu.memory_space<vmem>>, vector<1x64x1024xf32>
    %swap3A_304 = vector.shape_cast %swap3A_303 : vector<1x64x1024xf32> to vector<64x1024xf32>
    %swap3A_305 = vector.shape_cast %transpose3A_299 : vector<64x1024xf32> to vector<1x64x1024xf32>
    tpu.vector_store %arg2[%swap3A_300, %swap3A_301, %swap3A_302], %swap3A_305 {strides = array<i32>} : memref<50x64x1024xf32, #tpu.memory_space<vmem>>, vector<1x64x1024xf32>,
    %slice3A_306 = vector.extract_strided_slice %reshape3A {offsets = [18432, 0], sizes = [1024, 128], strides = [1, 1]} : vector<25600x128xf32> to vector<1024x128xf32>
    %slice3A_307 = vector.extract_strided_slice %slice3A_306 {offsets = [0, 0], sizes = [1024, 64], strides = [1, 1]} : vector<1024x128xf32> to vector<1024x64xf32>
    %transpose3A_308 = tpu.transpose %slice3A_307, [1, 0] : vector<1024x64xf32> -> vector<64x1024xf32>
    %swap3A_309 = arith.constant 36 : index
    %swap3A_310 = arith.constant 0 : index
    %swap3A_311 = arith.constant 0 : index
    %swap3A_312 = vector.load %arg2[%swap3A_309, %swap3A_310, %swap3A_311] : memref<50x64x1024xf32, #tpu.memory_space<vmem>>, vector<1x64x1024xf32>
    %swap3A_313 = vector.shape_cast %swap3A_312 : vector<1x64x1024xf32> to vector<64x1024xf32>
    %swap3A_314 = vector.shape_cast %transpose3A_308 : vector<64x1024xf32> to vector<1x64x1024xf32>
    tpu.vector_store %arg2[%swap3A_309, %swap3A_310, %swap3A_311], %swap3A_314 {strides = array<i32>} : memref<50x64x1024xf32, #tpu.memory_space<vmem>>, vector<1x64x1024xf32>,
    %slice3A_315 = vector.extract_strided_slice %slice3A_306 {offsets = [0, 64], sizes = [1024, 64], strides = [1, 1]} : vector<1024x128xf32> to vector<1024x64xf32>
    %transpose3A_316 = tpu.transpose %slice3A_315, [1, 0] : vector<1024x64xf32> -> vector<64x1024xf32>
    %swap3A_317 = arith.constant 37 : index
    %swap3A_318 = arith.constant 0 : index
    %swap3A_319 = arith.constant 0 : index
    %swap3A_320 = vector.load %arg2[%swap3A_317, %swap3A_318, %swap3A_319] : memref<50x64x1024xf32, #tpu.memory_space<vmem>>, vector<1x64x1024xf32>
    %swap3A_321 = vector.shape_cast %swap3A_320 : vector<1x64x1024xf32> to vector<64x1024xf32>
    %swap3A_322 = vector.shape_cast %transpose3A_316 : vector<64x1024xf32> to vector<1x64x1024xf32>
    tpu.vector_store %arg2[%swap3A_317, %swap3A_318, %swap3A_319], %swap3A_322 {strides = array<i32>} : memref<50x64x1024xf32, #tpu.memory_space<vmem>>, vector<1x64x1024xf32>,
    %slice3A_323 = vector.extract_strided_slice %reshape3A {offsets = [19456, 0], sizes = [1024, 128], strides = [1, 1]} : vector<25600x128xf32> to vector<1024x128xf32>
    %slice3A_324 = vector.extract_strided_slice %slice3A_323 {offsets = [0, 0], sizes = [1024, 64], strides = [1, 1]} : vector<1024x128xf32> to vector<1024x64xf32>
    %transpose3A_325 = tpu.transpose %slice3A_324, [1, 0] : vector<1024x64xf32> -> vector<64x1024xf32>
    %swap3A_326 = arith.constant 38 : index
    %swap3A_327 = arith.constant 0 : index
    %swap3A_328 = arith.constant 0 : index
    %swap3A_329 = vector.load %arg2[%swap3A_326, %swap3A_327, %swap3A_328] : memref<50x64x1024xf32, #tpu.memory_space<vmem>>, vector<1x64x1024xf32>
    %swap3A_330 = vector.shape_cast %swap3A_329 : vector<1x64x1024xf32> to vector<64x1024xf32>
    %swap3A_331 = vector.shape_cast %transpose3A_325 : vector<64x1024xf32> to vector<1x64x1024xf32>
    tpu.vector_store %arg2[%swap3A_326, %swap3A_327, %swap3A_328], %swap3A_331 {strides = array<i32>} : memref<50x64x1024xf32, #tpu.memory_space<vmem>>, vector<1x64x1024xf32>,
    %slice3A_332 = vector.extract_strided_slice %slice3A_323 {offsets = [0, 64], sizes = [1024, 64], strides = [1, 1]} : vector<1024x128xf32> to vector<1024x64xf32>
    %transpose3A_333 = tpu.transpose %slice3A_332, [1, 0] : vector<1024x64xf32> -> vector<64x1024xf32>
    %swap3A_334 = arith.constant 39 : index
    %swap3A_335 = arith.constant 0 : index
    %swap3A_336 = arith.constant 0 : index
    %swap3A_337 = vector.load %arg2[%swap3A_334, %swap3A_335, %swap3A_336] : memref<50x64x1024xf32, #tpu.memory_space<vmem>>, vector<1x64x1024xf32>
    %swap3A_338 = vector.shape_cast %swap3A_337 : vector<1x64x1024xf32> to vector<64x1024xf32>
    %swap3A_339 = vector.shape_cast %transpose3A_333 : vector<64x1024xf32> to vector<1x64x1024xf32>
    tpu.vector_store %arg2[%swap3A_334, %swap3A_335, %swap3A_336], %swap3A_339 {strides = array<i32>} : memref<50x64x1024xf32, #tpu.memory_space<vmem>>, vector<1x64x1024xf32>,
    %slice3A_340 = vector.extract_strided_slice %reshape3A {offsets = [20480, 0], sizes = [1024, 128], strides = [1, 1]} : vector<25600x128xf32> to vector<1024x128xf32>
    %slice3A_341 = vector.extract_strided_slice %slice3A_340 {offsets = [0, 0], sizes = [1024, 64], strides = [1, 1]} : vector<1024x128xf32> to vector<1024x64xf32>
    %transpose3A_342 = tpu.transpose %slice3A_341, [1, 0] : vector<1024x64xf32> -> vector<64x1024xf32>
    %swap3A_343 = arith.constant 40 : index
    %swap3A_344 = arith.constant 0 : index
    %swap3A_345 = arith.constant 0 : index
    %swap3A_346 = vector.load %arg2[%swap3A_343, %swap3A_344, %swap3A_345] : memref<50x64x1024xf32, #tpu.memory_space<vmem>>, vector<1x64x1024xf32>
    %swap3A_347 = vector.shape_cast %swap3A_346 : vector<1x64x1024xf32> to vector<64x1024xf32>
    %swap3A_348 = vector.shape_cast %transpose3A_342 : vector<64x1024xf32> to vector<1x64x1024xf32>
    tpu.vector_store %arg2[%swap3A_343, %swap3A_344, %swap3A_345], %swap3A_348 {strides = array<i32>} : memref<50x64x1024xf32, #tpu.memory_space<vmem>>, vector<1x64x1024xf32>,
    %slice3A_349 = vector.extract_strided_slice %slice3A_340 {offsets = [0, 64], sizes = [1024, 64], strides = [1, 1]} : vector<1024x128xf32> to vector<1024x64xf32>
    %transpose3A_350 = tpu.transpose %slice3A_349, [1, 0] : vector<1024x64xf32> -> vector<64x1024xf32>
    %swap3A_351 = arith.constant 41 : index
    %swap3A_352 = arith.constant 0 : index
    %swap3A_353 = arith.constant 0 : index
    %swap3A_354 = vector.load %arg2[%swap3A_351, %swap3A_352, %swap3A_353] : memref<50x64x1024xf32, #tpu.memory_space<vmem>>, vector<1x64x1024xf32>
    %swap3A_355 = vector.shape_cast %swap3A_354 : vector<1x64x1024xf32> to vector<64x1024xf32>
    %swap3A_356 = vector.shape_cast %transpose3A_350 : vector<64x1024xf32> to vector<1x64x1024xf32>
    tpu.vector_store %arg2[%swap3A_351, %swap3A_352, %swap3A_353], %swap3A_356 {strides = array<i32>} : memref<50x64x1024xf32, #tpu.memory_space<vmem>>, vector<1x64x1024xf32>,
    %slice3A_357 = vector.extract_strided_slice %reshape3A {offsets = [21504, 0], sizes = [1024, 128], strides = [1, 1]} : vector<25600x128xf32> to vector<1024x128xf32>
    %slice3A_358 = vector.extract_strided_slice %slice3A_357 {offsets = [0, 0], sizes = [1024, 64], strides = [1, 1]} : vector<1024x128xf32> to vector<1024x64xf32>
    %transpose3A_359 = tpu.transpose %slice3A_358, [1, 0] : vector<1024x64xf32> -> vector<64x1024xf32>
    %swap3A_360 = arith.constant 42 : index
    %swap3A_361 = arith.constant 0 : index
    %swap3A_362 = arith.constant 0 : index
    %swap3A_363 = vector.load %arg2[%swap3A_360, %swap3A_361, %swap3A_362] : memref<50x64x1024xf32, #tpu.memory_space<vmem>>, vector<1x64x1024xf32>
    %swap3A_364 = vector.shape_cast %swap3A_363 : vector<1x64x1024xf32> to vector<64x1024xf32>
    %swap3A_365 = vector.shape_cast %transpose3A_359 : vector<64x1024xf32> to vector<1x64x1024xf32>
    tpu.vector_store %arg2[%swap3A_360, %swap3A_361, %swap3A_362], %swap3A_365 {strides = array<i32>} : memref<50x64x1024xf32, #tpu.memory_space<vmem>>, vector<1x64x1024xf32>,
    %slice3A_366 = vector.extract_strided_slice %slice3A_357 {offsets = [0, 64], sizes = [1024, 64], strides = [1, 1]} : vector<1024x128xf32> to vector<1024x64xf32>
    %transpose3A_367 = tpu.transpose %slice3A_366, [1, 0] : vector<1024x64xf32> -> vector<64x1024xf32>
    %swap3A_368 = arith.constant 43 : index
    %swap3A_369 = arith.constant 0 : index
    %swap3A_370 = arith.constant 0 : index
    %swap3A_371 = vector.load %arg2[%swap3A_368, %swap3A_369, %swap3A_370] : memref<50x64x1024xf32, #tpu.memory_space<vmem>>, vector<1x64x1024xf32>
    %swap3A_372 = vector.shape_cast %swap3A_371 : vector<1x64x1024xf32> to vector<64x1024xf32>
    %swap3A_373 = vector.shape_cast %transpose3A_367 : vector<64x1024xf32> to vector<1x64x1024xf32>
    tpu.vector_store %arg2[%swap3A_368, %swap3A_369, %swap3A_370], %swap3A_373 {strides = array<i32>} : memref<50x64x1024xf32, #tpu.memory_space<vmem>>, vector<1x64x1024xf32>,
    %slice3A_374 = vector.extract_strided_slice %reshape3A {offsets = [22528, 0], sizes = [1024, 128], strides = [1, 1]} : vector<25600x128xf32> to vector<1024x128xf32>
    %slice3A_375 = vector.extract_strided_slice %slice3A_374 {offsets = [0, 0], sizes = [1024, 64], strides = [1, 1]} : vector<1024x128xf32> to vector<1024x64xf32>
    %transpose3A_376 = tpu.transpose %slice3A_375, [1, 0] : vector<1024x64xf32> -> vector<64x1024xf32>
    %swap3A_377 = arith.constant 44 : index
    %swap3A_378 = arith.constant 0 : index
    %swap3A_379 = arith.constant 0 : index
    %swap3A_380 = vector.load %arg2[%swap3A_377, %swap3A_378, %swap3A_379] : memref<50x64x1024xf32, #tpu.memory_space<vmem>>, vector<1x64x1024xf32>
    %swap3A_381 = vector.shape_cast %swap3A_380 : vector<1x64x1024xf32> to vector<64x1024xf32>
    %swap3A_382 = vector.shape_cast %transpose3A_376 : vector<64x1024xf32> to vector<1x64x1024xf32>
    tpu.vector_store %arg2[%swap3A_377, %swap3A_378, %swap3A_379], %swap3A_382 {strides = array<i32>} : memref<50x64x1024xf32, #tpu.memory_space<vmem>>, vector<1x64x1024xf32>,
    %slice3A_383 = vector.extract_strided_slice %slice3A_374 {offsets = [0, 64], sizes = [1024, 64], strides = [1, 1]} : vector<1024x128xf32> to vector<1024x64xf32>
    %transpose3A_384 = tpu.transpose %slice3A_383, [1, 0] : vector<1024x64xf32> -> vector<64x1024xf32>
    %swap3A_385 = arith.constant 45 : index
    %swap3A_386 = arith.constant 0 : index
    %swap3A_387 = arith.constant 0 : index
    %swap3A_388 = vector.load %arg2[%swap3A_385, %swap3A_386, %swap3A_387] : memref<50x64x1024xf32, #tpu.memory_space<vmem>>, vector<1x64x1024xf32>
    %swap3A_389 = vector.shape_cast %swap3A_388 : vector<1x64x1024xf32> to vector<64x1024xf32>
    %swap3A_390 = vector.shape_cast %transpose3A_384 : vector<64x1024xf32> to vector<1x64x1024xf32>
    tpu.vector_store %arg2[%swap3A_385, %swap3A_386, %swap3A_387], %swap3A_390 {strides = array<i32>} : memref<50x64x1024xf32, #tpu.memory_space<vmem>>, vector<1x64x1024xf32>,
    %slice3A_391 = vector.extract_strided_slice %reshape3A {offsets = [23552, 0], sizes = [1024, 128], strides = [1, 1]} : vector<25600x128xf32> to vector<1024x128xf32>
    %slice3A_392 = vector.extract_strided_slice %slice3A_391 {offsets = [0, 0], sizes = [1024, 64], strides = [1, 1]} : vector<1024x128xf32> to vector<1024x64xf32>
    %transpose3A_393 = tpu.transpose %slice3A_392, [1, 0] : vector<1024x64xf32> -> vector<64x1024xf32>
    %swap3A_394 = arith.constant 46 : index
    %swap3A_395 = arith.constant 0 : index
    %swap3A_396 = arith.constant 0 : index
    %swap3A_397 = vector.load %arg2[%swap3A_394, %swap3A_395, %swap3A_396] : memref<50x64x1024xf32, #tpu.memory_space<vmem>>, vector<1x64x1024xf32>
    %swap3A_398 = vector.shape_cast %swap3A_397 : vector<1x64x1024xf32> to vector<64x1024xf32>
    %swap3A_399 = vector.shape_cast %transpose3A_393 : vector<64x1024xf32> to vector<1x64x1024xf32>
    tpu.vector_store %arg2[%swap3A_394, %swap3A_395, %swap3A_396], %swap3A_399 {strides = array<i32>} : memref<50x64x1024xf32, #tpu.memory_space<vmem>>, vector<1x64x1024xf32>,
    %slice3A_400 = vector.extract_strided_slice %slice3A_391 {offsets = [0, 64], sizes = [1024, 64], strides = [1, 1]} : vector<1024x128xf32> to vector<1024x64xf32>
    %transpose3A_401 = tpu.transpose %slice3A_400, [1, 0] : vector<1024x64xf32> -> vector<64x1024xf32>
    %swap3A_402 = arith.constant 47 : index
    %swap3A_403 = arith.constant 0 : index
    %swap3A_404 = arith.constant 0 : index
    %swap3A_405 = vector.load %arg2[%swap3A_402, %swap3A_403, %swap3A_404] : memref<50x64x1024xf32, #tpu.memory_space<vmem>>, vector<1x64x1024xf32>
    %swap3A_406 = vector.shape_cast %swap3A_405 : vector<1x64x1024xf32> to vector<64x1024xf32>
    %swap3A_407 = vector.shape_cast %transpose3A_401 : vector<64x1024xf32> to vector<1x64x1024xf32>
    tpu.vector_store %arg2[%swap3A_402, %swap3A_403, %swap3A_404], %swap3A_407 {strides = array<i32>} : memref<50x64x1024xf32, #tpu.memory_space<vmem>>, vector<1x64x1024xf32>,
    %slice3A_408 = vector.extract_strided_slice %reshape3A {offsets = [24576, 0], sizes = [1024, 128], strides = [1, 1]} : vector<25600x128xf32> to vector<1024x128xf32>
    %slice3A_409 = vector.extract_strided_slice %slice3A_408 {offsets = [0, 0], sizes = [1024, 64], strides = [1, 1]} : vector<1024x128xf32> to vector<1024x64xf32>
    %transpose3A_410 = tpu.transpose %slice3A_409, [1, 0] : vector<1024x64xf32> -> vector<64x1024xf32>
    %swap3A_411 = arith.constant 48 : index
    %swap3A_412 = arith.constant 0 : index
    %swap3A_413 = arith.constant 0 : index
    %swap3A_414 = vector.load %arg2[%swap3A_411, %swap3A_412, %swap3A_413] : memref<50x64x1024xf32, #tpu.memory_space<vmem>>, vector<1x64x1024xf32>
    %swap3A_415 = vector.shape_cast %swap3A_414 : vector<1x64x1024xf32> to vector<64x1024xf32>
    %swap3A_416 = vector.shape_cast %transpose3A_410 : vector<64x1024xf32> to vector<1x64x1024xf32>
    tpu.vector_store %arg2[%swap3A_411, %swap3A_412, %swap3A_413], %swap3A_416 {strides = array<i32>} : memref<50x64x1024xf32, #tpu.memory_space<vmem>>, vector<1x64x1024xf32>,
    %slice3A_417 = vector.extract_strided_slice %slice3A_408 {offsets = [0, 64], sizes = [1024, 64], strides = [1, 1]} : vector<1024x128xf32> to vector<1024x64xf32>
    %transpose3A_418 = tpu.transpose %slice3A_417, [1, 0] : vector<1024x64xf32> -> vector<64x1024xf32>
    %swap3A_419 = arith.constant 49 : index
    %swap3A_420 = arith.constant 0 : index
    %swap3A_421 = arith.constant 0 : index
    %swap3A_422 = vector.load %arg2[%swap3A_419, %swap3A_420, %swap3A_421] : memref<50x64x1024xf32, #tpu.memory_space<vmem>>, vector<1x64x1024xf32>
    %swap3A_423 = vector.shape_cast %swap3A_422 : vector<1x64x1024xf32> to vector<64x1024xf32>
    %swap3A_424 = vector.shape_cast %transpose3A_418 : vector<64x1024xf32> to vector<1x64x1024xf32>
    tpu.vector_store %arg2[%swap3A_419, %swap3A_420, %swap3A_421], %swap3A_424 {strides = array<i32>} : memref<50x64x1024xf32, #tpu.memory_space<vmem>>, vector<1x64x1024xf32>,
    return
  }
  func.func @transform_0(%arg0: i32) -> (i32, i32, i32) {
    %c0_i32 = arith.constant 0 : i32
    %c0_i32_0 = arith.constant 0 : i32
    %c0_i32_1 = arith.constant 0 : i32
    return %c0_i32, %arg0, %c0_i32_0 : i32, i32, i32
  }
  func.func @transform_1(%arg0: i32) -> (i32, i32, i32) {
    %c0_i32 = arith.constant 0 : i32
    %c0_i32_0 = arith.constant 0 : i32
    %c0_i32_1 = arith.constant 0 : i32
    return %c0_i32, %c0_i32_0, %arg0 : i32, i32, i32
  }
}

</mosaic_0001>

<sc_bundles>
// kernel: kernel.5.cloned.1.call-start
scs
__scs_entry_jumppad:
0x0: {  	(pc) =	sbr.rel $0x88, $3  }
0x1: {  	(tag) =	ssettag $0x0;
	lr =	simm.s32 $0x1  }
0x2: {  	[smem:$0x3F9E] =	sst lr;
	_ =	strace $0xD0000000  }
0x3: {  	_ = 	snop  }
0x4: {  	_ = 	snop  }
0x5: {  	_ = 	snop  }
0x6: {  	_ = 	snop  }
0x7: {  	_ = 	snop  }
__scs_overlays_trampoline_lowered:
0x8: {  	[smem:$0x3FAD] =	sst s0  }
0x9: {  	[smem:$0x3FAE] =	sst s1  }
0xa: {  	[smem:$0x3FAF] =	sst s2  }
0xb: {  	[smem:$0x3FB0] =	sst s3  }
0xc: {  	[smem:$0x3FB1] =	sst s4  }
0xd: {  	[smem:$0x3FB2] =	sst s5  }
0xe: {  	[smem:$0x3FB3] =	sst s6  }
0xf: {  	[smem:$0x3FB4] =	sst s7  }
0x10: {  	[smem:$0x3FB5] =	sst s8  }
0x11: {  	[smem:$0x3FB6] =	sst s9;
	s0 =	simm.s32 @!p0 $0x0  }
0x12: {  	s1 =	sld [smem:$0x3F9C];
	s0 =	simm.s32 @p0 $0x1  }
0x13: {  	[smem:$0x3FB7] =	sst s0;
	s0 =	simm.s32 @!p1 $0x0  }
0x14: {  	s2 =	sld [smem:$0x3F9B];
	s0 =	simm.s32 @p1 $0x1  }
0x15: {  	[smem:$0x3FB8] =	sst s0;
	s0 =	simm.s32 @!p2 $0x0  }
0x16: {  	s3 =	sld [smem:$0x3FDB];
	s0 =	simm.s32 @p2 $0x1  }
0x17: {  	s4 =	simm.s32 $0x1BF5;
	[smem:$0x3FBA] =	sst s0  }
0x18: {  	s0 =	sld [smem:$0x3F9D];
	_ =	swait.ge [sflag:s4], $0x0  }
0x19: {  	s7 =	sld [smem:$0x3F9E]  }
0x1a: {  	s8 =	sadd.s32 $0xFFFFE003, lr  }
0x1b: {  	s9 =	sadd.s32 $0xFFFFFEF7, lr;
	s5 =	simm.s32 $0xFFFFFFFF;
	p2 =	slt.u32 s8, $0xFFFFF086  }
0x1c: {  	p1 =	slt.u32 s9, $0xF7A;
	s5 =	simm.s32 @!p2 $0x0  }
0x1d: {  	s5 =	simm.s32 @p1 $0x1;
	p0 =	seq.s32 s7, s2  }
0x1e: {  	s7 =	smul.u32 @!p0 $0xF7A, s2;
	p2 =	seq.s32 @!p0 s5, $0x0  }
0x1f: {  	s9 =	smul.u32 $0xF7A, s1;
	s8 =	simm.s32 @!p0 $0x1BF5;
	p2 =	por !p2, p0  }
0x20: {  	[sflag:s8] =	ssyncset.s32 @!p0 $0xFFFFF086;
	s6 =	sadd.s32 @!p0 s3, s7;
	s7 =	simm.s32 @!p0 $0x108  }
0x21: {  	s3 =	sadd.s32 s3, s9;
	s6 =	sadd.s32 @!p0 $0x88, s6;
	s7 =	simm.s32 @p2 $0x1082  }
0x22: {  	[simem:s7], [sflag:s8] =	dma.local @!p0 [hbm:s6], $0xF7A  }
0x23: {  	s9 =	sor.u32 $0xD0000000, s2;
	s6 =	simm.s32 $0x108;
	_ =	swait.ge @!p0 [sflag:s8], $0x0  }
0x24: {  	s3 =	sadd.s32 $0x88, s3;
	s6 =	simm.s32 @!p1 $0x1082;
	[sflag:s4] =	ssyncset.s32 $0xFFFFF086  }
0x25: {  	[simem:s6], [sflag:s4] =	dma.local [hbm:s3], $0xF7A  }
0x26: {  	[smem:$0x3F9E] =	sst s1;
	(tag) =	ssettag s2;
	_ =	strace s9  }
0x27: {  	s1 =	sld [smem:$0x3FAE]  }
0x28: {  	s2 =	sld [smem:$0x3FAF]  }
0x29: {  	s4 =	sld [smem:$0x3FB1]  }
0x2a: {  	p0 =	seq.s32 s5, $0x0;
	s5 =	sld [smem:$0x3FB2]  }
0x2b: {  	s6 =	sld [smem:$0x3FB3]  }
0x2c: {  	s7 =	sld [smem:$0x3FB4]  }
0x2d: {  	s3 =	simm.s32 $0x108;
	s8 =	sld [smem:$0x3FB5]  }
0x2e: {  	s3 =	simm.s32 @!p0 $0x1082;
	s9 =	sld [smem:$0x3FB6]  }
0x2f: {  	lr =	sadd.s32 s0, s3;
	s0 =	sld [smem:$0x3FAD]  }
0x30: {  	s3 =	sld [smem:$0x3FB0]  }
0x31: {  	[smem:$0x3FB9] =	sst s10  }
0x32: {  	s10 =	sld [smem:$0x3FB7];
	_ =	sdelay $0x3  }
0x33: {  	p0 =	seq.s32 s10, $0x1;
	s10 =	sld [smem:$0x3FB9];
	_ =	sdelay $0x3  }
0x34: {  	[smem:$0x3FB9] =	sst s10  }
0x35: {  	s10 =	sld [smem:$0x3FB8];
	_ =	sdelay $0x3  }
0x36: {  	p1 =	seq.s32 s10, $0x1;
	s10 =	sld [smem:$0x3FB9];
	_ =	sdelay $0x3  }
0x37: {  	[smem:$0x3FB9] =	sst s10  }
0x38: {  	s10 =	sld [smem:$0x3FBA]  }
0x39: {  	_ = 	snop;
	(pc) =	sbr.ind lr, $3  }
0x3a: {  	_ = 	snop  }
0x3b: {  	_ = 	snop  }
0x3c: {  	p2 =	seq.s32 s10, $0x1;
	s10 =	sld [smem:$0x3FB9]  }
0x3d: {  	_ =	shalt  }
0x3e: {  	_ =	shalt  }
0x3f: {  	_ =	shalt  }
0x40: {  	_ =	shalt  }
0x41: {  	_ =	shalt  }
0x42: {  	_ =	shalt  }
0x43: {  	_ =	shalt  }
0x44: {  	_ =	shalt  }
0x45: {  	_ =	shalt  }
0x46: {  	_ =	shalt  }
0x47: {  	_ =	shalt  }
0x48: {  	_ =	shalt  }
0x49: {  	_ =	shalt  }
0x4a: {  	_ =	shalt  }
0x4b: {  	_ =	shalt  }
0x4c: {  	_ =	shalt  }
0x4d: {  	_ =	shalt  }
0x4e: {  	_ =	shalt  }
0x4f: {  	_ =	shalt  }
0x50: {  	_ =	shalt  }
0x51: {  	_ =	shalt  }
0x52: {  	_ =	shalt  }
0x53: {  	_ =	shalt  }
0x54: {  	_ =	shalt  }
0x55: {  	_ =	shalt  }
0x56: {  	_ =	shalt  }
0x57: {  	_ =	shalt  }
0x58: {  	_ =	shalt  }
0x59: {  	_ =	shalt  }
0x5a: {  	_ =	shalt  }
0x5b: {  	_ =	shalt  }
0x5c: {  	_ =	shalt  }
0x5d: {  	_ =	shalt  }
0x5e: {  	_ =	shalt  }
0x5f: {  	_ =	shalt  }
0x60: {  	_ =	shalt  }
0x61: {  	_ =	shalt  }
0x62: {  	_ =	shalt  }
0x63: {  	_ =	shalt  }
0x64: {  	_ =	shalt  }
0x65: {  	_ =	shalt  }
0x66: {  	_ =	shalt  }
0x67: {  	_ =	shalt  }
0x68: {  	_ =	shalt  }
0x69: {  	_ =	shalt  }
0x6a: {  	_ =	shalt  }
0x6b: {  	_ =	shalt  }
0x6c: {  	_ =	shalt  }
0x6d: {  	_ =	shalt  }
0x6e: {  	_ =	shalt  }
0x6f: {  	_ =	shalt  }
0x70: {  	_ =	shalt  }
0x71: {  	_ =	shalt  }
0x72: {  	_ =	shalt  }
0x73: {  	_ =	shalt  }
0x74: {  	_ =	shalt  }
0x75: {  	_ =	shalt  }
0x76: {  	_ =	shalt  }
0x77: {  	_ =	shalt  }
0x78: {  	_ =	shalt  }
0x79: {  	_ =	shalt  }
0x7a: {  	_ =	shalt  }
0x7b: {  	_ =	shalt  }
0x7c: {  	_ =	shalt  }
0x7d: {  	_ =	shalt  }
0x7e: {  	_ =	shalt  }
0x7f: {  	_ =	shalt  }
0x80: {  	_ =	shalt  }
0x81: {  	_ =	shalt  }
0x82: {  	_ =	shalt  }
0x83: {  	_ =	shalt  }
0x84: {  	_ =	shalt  }
0x85: {  	_ =	shalt  }
0x86: {  	_ =	shalt  }
0x87: {  	_ =	shalt  }
.Lfunc_end0:
.L_simem_size_0:
called_computation_lowered:
.L_overlay_start_0:
0x88: {  	s2 =	sld [smem:$0x3FD9]  }
0x89: {  	s3 =	sld [smem:$0x3FFE];
	_ =	sdelay $0x1  }
0x8a: {  	s1 =	srdreg.scid  }
0x8b: {  	s0 =	sand.u32 $0x1, s1  }
0x8c: {  	s17 =	sshll.u32 s0, $0xA;
	s2 =	sadd.s32 s3, s2  }
0x8d: {  	s2 =	sadd.s32 s2, s17  }
0x8e: {  	[smem:$0x3FC5] =	sst s2  }
0x8f: {  	_ = 	snop  }
0x90: {  	s2 =	sld [smem:$0x3FD0];
	(tm) =	ssettm $0x1  }
0x91: {  	s18 =	sld [smem:$0x3FFB];
	_ =	sdelay $0x3  }
0x92: {  	_ =	strace s18  }
0x93: {  	s3 =	sld [smem:$0x3FFC];
	_ =	sdelay $0x3  }
0x94: {  	_ =	strace s3  }
0x95: {  	s3 =	sld [smem:$0x3FFD];
	_ =	sdelay $0x3  }
0x96: {  	_ =	strace s3  }
0x97: {  	_ =	strace $0x8FFFFFFF  }
0x98: {  	s19 =	sld [smem:$0x3FDB];
	_ =	sdelay $0x1  }
0x99: {  	s4 =	simm.s32 $_scs_section_size  }
0x9a: {  	s5 =	simm.s32 $_size__tile_overlayer_lowered;
	s6 =	simm.s32 $_tile_overlayer_lowered  }
0x9b: {  	s22 =	simm.s32 $0x1BFF;
	s21 =	sshll.u32 s6, $0x1;
	s3 =	sadd.s32 s4, s19  }
0x9c: {  	s7 =	simm.s32 $0x0;
	s20 =	sshll.u32 s5, $0x1;
	s5 =	sadd.s32 s21, s3  }
0x9d: {  	[timem:s7], [sflag:s22] =	dma.local [hbm:s5], s20  }
0x9e: {  	_ =	swait.ge [sflag:s22], s20  }
0x9f: {  	s4 =	ssub.s32 $0x0, s20;
	[sflag:s22] =	ssyncset.done $0x0  }
0xa0: {  	[sflag:s22] =	ssyncadd.s32 s4;
	_ =	sdelay $0x1  }
0xa1: {  	s23 =	simm.s32 $0x1B8B  }
0xa2: {  	_ =	swait.ge [sflag:s23], $0x1  }
0xa3: {  	[sflag:s23] =	ssyncset.done $0x0  }
0xa4: {  	s25 =	simm.s32 $0x1B8E;
	s24 =	sld [smem:$0x3FFE];
	[sflag:s23] =	ssyncadd.s32 $0xFFFFFFFF  }
0xa5: {  	s26 =	simm.s32 $execute0_lowered;
	[smem:$0x3FD2] =	sst s25  }
0xa6: {  	s5 =	sshll.u32 s26, $0x1;
	_ =	strace $0x80000046;
	[dreg:$0x1] =	wrdreg $0xFFFFFFFF  }
0xa7: {  	s28 =	simm.s32 $_size_execute0_lowered;
	s3 =	sadd.s32 s3, s5;
	[dreg:$0x0] =	wrdreg $0x0  }
0xa8: {  	s5 =	sshll.u32 s28, $0x1;
	[dreg:$0x2] =	wrdreg s3  }
0xa9: {  	[dreg:$0x3] =	wrdreg s5  }
0xaa: {  	[dreg:$0x4] =	wrdreg $0xC0  }
0xab: {  	_ =	task [dreg:s7], $0x5FFFF  }
0xac: {  	[dreg:$0x1] =	wrdreg $0xFFFFFFFF  }
0xad: {  	[dreg:$0x0] =	wrdreg $0x60  }
0xae: {  	[dreg:$0x2] =	wrdreg s24  }
0xaf: {  	[dreg:$0x3] =	wrdreg s2  }
0xb0: {  	[dreg:$0x4] =	wrdreg $0x9  }
0xb1: {  	_ =	task.clear_ibuf [dreg:s7], $0x5FFFF;
	_ =	strace $0x90000046  }
0xb2: {  	s29 =	simm.s32 $0x9;
	_ =	strace $0x80000048  }
0xb3: {  	_ =	swait.ge [sflag:s29], $0x1  }
0xb4: {  	[sflag:s29] =	ssyncadd.s32 $0xFFFFFFFF  }
0xb5: {  	_ =	strace $0x90000048  }
0xb6: {  	_ =	sfence  }
0xb7: {  	s30 =	sld [smem:$0x0];
	_ =	sdelay $0x2  }
0xb8: {  	s31 =	sshll.u32 s1, $0xD;
	s1 =	sshrl.u32 s1, $0x2  }
0xb9: {  	s3 =	sand.u32 $0x4000, s31;
	s1 =	sadd.s32 s1, s30  }
0xba: {  	s0 =	sor.u32 s3, s0;
	s1 =	sshll.u32 s1, $0x11  }
0xbb: {  	s0 =	sor.u32 s1, s0  }
0xbc: {  	s0 =	sadd.s32 $0x8F2B, s0  }
0xbd: {  	[sflag:s0] =	ssyncadd.remote.s32 $0x1  }
0xbe: {  	_ =	sfence.sel $0xFFFF  }
0xbf: {  	[dreg:$0x0] =	wrdreg $0xFFFFFFFF;
	(pc) =	sbr.abs _section_cstart, $3  }
0xc0: {  	[dreg:$0x1] =	wrdreg $0xFFFFFFFF  }
0xc1: {  	_ =	task.clear_ibuf [dreg:s7], $0x2FFFF;
	_ =	strace $0x9FFFFFFF  }
0xc2: {  	(tm) =	ssettm $0x7FFFFFFF  }
0xc3: {  	_ =	shalt  }
tec
execute0_lowered:
.L_overlay_start_1:
0x0: {  	(tag) =	ssettag $0x1  }
0x1: {  	s3 =	rddreg [dreg:$0x0]  }
0x2: {  	s4 =	rddreg [dreg:$0x1]  }
0x3: {  	s0 =	rddreg [dreg:$0x2];
	s2 =	simm.s32 $0x0;
	s1 =	stileid.u32  }
0x4: {  	s5 =	srdreg.scid;
	s10 =	simm.s32 $0x1;
	s11 =	simm.s32 $0x2  }
0x5: {  	s12 =	simm.s32 $0x0;
	[smem:$0x7FF] =	sst s2;
	s6 =	sshll.u32 s1, $0xE  }
0x6: {  	s5 =	sand.u32 $0x1, s5;
	s7 =	sshll.u32 s1, $0x1;
	_ =	strace $0x80000047  }
0x7: {  	s6 =	sadd.s32 s6, s3;
	s8 =	ssub.s32 $0x2, s5;
	s7 =	sor.u32 s5, s7  }
0x8: {  	s5 =	sshll.u32 s5, $0xD;
	s9 =	sshrl.u32 s8, $0x1;
	s7 =	smul.u32 $0xE00, s7  }
0x9: {  	s3 =	sadd.s32 $0x800, s3;
	s6 =	sadd.s32 s5, s6;
	s8 =	ssub.s32 s8, s9  }
0xa: {  	v0 =	vlaneseq.u32;
	s6 =	sadd.s32 $0x840800, s6;
	s9 =	simm.s32 $0xD400;
	s4 =	sadd.s32 s4, s7  }
0xb: {  	v2 =	vimm.s32 $0x0;
	v1 =	vand.u32 $0x1, v0;
	s5 =	smax.u32 s8, $0x1;
	s7 =	simm.s32 $0x3;
	s8 =	simm.s32 $0x400  }
.LBB2_1:
0xc: {  	v3 =	vor.u32 s2, v0  }
0xd: {  	v3 =	vshrl.u32 v3, $0x1  }
0xe: {  	v4 =	vmov s2;
	v3 =	vand.u32 $0x1FF, v3  }
0xf: {  	v4 =	vshrl.u32 v4, $0x9;
	v3 =	vmul.u32 $0x38, v3  }
0x10: {  	v5 =	vand.u32 $0x38, v4  }
0x11: {  	v4 =	vand.u32 $0x6, v4;
	v3 =	vadd.s32 v5, v3  }
0x12: {  	v3 =	vor.u32 v3, v4  }
0x13: {  	v3 =	vor.u32 v1, v3  }
0x14: {  	[tilespmem:s2], [sflag:$0x3] =	stream.linear.gather [hbm4b:s4+s2], $0x7000, $0x38;
	[tilespmem:$0x1D400] =	vst v63  }
0x15: {  	s13 =	simm.s32 $0x10;
	_ =	swait.ge [sflag:s7], $0x7000  }
0x16: {  	[sflag:s7] =	ssyncset.done $0x0;
	v4 =	vor.u32 s13, v0  }
0x17: {  	[sflag:s7] =	ssyncadd.s32 $0xFFFF9000;
	v4 =	vshrl.u32 v4, $0x1  }
0x18: {  	v5 =	vmov s13;
	v4 =	vand.u32 $0x1FF, v4;
	v3 =	vld.idx.msk [tilespmem:v3+s2+$0x0], $0xffff  }
0x19: {  	v5 =	vshrl.u32 v5, $0x9;
	v4 =	vmul.u32 $0x38, v4  }
0x1a: {  	v6 =	vand.u32 $0x38, v5  }
0x1b: {  	v5 =	vand.u32 $0x6, v5;
	v4 =	vadd.s32 v6, v4  }
0x1c: {  	v4 =	vor.u32 v4, v5  }
0x1d: {  	vm0 =	vgt.s32 v3, $0x7A11F;
	v5 =	vshll.u32 v3, $0x1;
	v3 =	vor.u32 v1, v4;
	_ =	sdelay $0x1  }
0x1e: {  	s15 =	simm.s32 $0x20;
	v6 =	vsel vm0, $0xFFF18001, v2  }
0x1f: {  	s16 =	simm.s32 $0x30;
	s13 =	simm.s32 $0x7000;
	v4 =	vor.u32 s15, v0;
	v5 =	vadd.s32 v5, v6  }
.LBB2_2:
0x20: {  	p0 =	sne.s32 s16, $0x63F0;
	v4 =	vshrl.u32 v4, $0x1;
	s14 =	simm.s32 $0x0;
	[tilespmem:s13+$0x0] =	vst v5  }
0x21: {  	v5 =	vmov s15;
	s15 =	smov.u32 s16;
	v4 =	vand.u32 $0x1FF, v4;
	v6 =	vld.idx.msk [tilespmem:v3+s14+$0x0], $0xffff  }
0x22: {  	v3 =	vshrl.u32 v5, $0x9;
	v4 =	vmul.u32 $0x38, v4  }
0x23: {  	v5 =	vand.u32 $0x38, v3  }
0x24: {  	v3 =	vand.u32 $0x6, v3;
	v4 =	vadd.s32 v5, v4  }
.Ltmp0:
0x25: {  	v3 =	vor.u32 v4, v3;
	(pc) =	sbr.rel @p0 .LBB2_2-.Ltmp0, $4  }
0x26: {  	v3 =	vor.u32 v1, v3  }
0x27: {  	vm0 =	vgt.s32 v6, $0x7A11F  }
0x28: {  	v5 =	vshll.u32 v6, $0x1;
	v6 =	vsel vm0, $0xFFF18001, v2  }
0x29: {  	s16 =	sadd.s32 $0x10, s16;
	s13 =	sadd.s32 $0x10, s13;
	v4 =	vor.u32 s15, v0;
	v5 =	vadd.s32 v5, v6  }
0x2a: {  	_ =	sdelay $0x1  }
0x2b: {  	v4 =	vshrl.u32 v4, $0x1  }
0x2c: {  	[tilespmem:s13+$0x0] =	vst v5;
	v61 =	vmov s15;
	v4 =	vand.u32 $0x1FF, v4  }
0x2d: {  	v3 =	vld.idx.msk [tilespmem:v3+s14+$0x0], $0xffff;
	v5 =	vshrl.u32 v61, $0x9;
	v4 =	vmul.u32 $0x38, v4  }
0x2e: {  	v6 =	vand.u32 $0x38, v5  }
0x2f: {  	v5 =	vand.u32 $0x6, v5;
	v4 =	vadd.s32 v6, v4  }
0x30: {  	v4 =	vor.u32 v4, v5  }
0x31: {  	v4 =	vor.u32 v1, v4  }
0x32: {  	vm0 =	vgt.s32 v3, $0x7A11F  }
0x33: {  	v3 =	vshll.u32 v3, $0x1;
	v62 =	vsel vm0, $0xFFF18001, v2  }
0x34: {  	s31 =	sadd.s32 $0x10, s13;
	v3 =	vadd.s32 v3, v62  }
0x35: {  	[tilespmem:s31+$0x0] =	vst v3  }
0x36: {  	v3 =	vld.idx.msk [tilespmem:v4+s14+$0x0], $0xffff;
	_ =	sdelay $0x2  }
0x37: {  	p1 =	por $0x1, $0x1  }
.Ltmp1:
0x38: {  	_ = 	snop;
	(pc) =	sbr.rel @!p1 .LBB2_6-.Ltmp1, $4  }
0x39: {  	vm15 =	vgt.s32 v3, $0x7A11F  }
0x3a: {  	v3 =	vshll.u32 v3, $0x1;
	v63 =	vsel vm15, $0xFFF18001, v2  }
0x3b: {  	s13 =	sadd.s32 $0x10, s31;
	v3 =	vadd.s32 v3, v63  }
0x3c: {  	s15 =	simm.s32 $0x0;
	p0 =	por $0x0, $0x0;
	[tilespmem:s13+$0x0] =	vst v3;
	s13 =	smov.u32 s6  }
0x3d: {  	s13 =	simm.s32 $0x7000  }
0x3e: {  	[tilespmem:s9], [sflag:$0x1] =	stream.indirect.gather [hbm4b:s3+s8], $0x40, s13, s8, $0xb8;
	[tilespmem:$0x1D400] =	vst v63  }
0x3f: {  	p1 =	por $0x1, $0x1;
	_ =	swait.ge [sflag:s10], $0x10000  }
.Ltmp2:
0x40: {  	[sflag:s10] =	ssyncset.done $0x0;
	(pc) =	sbr.rel @!p1 .LBB2_6-.Ltmp2, $4  }
0x41: {  	[sflag:s10] =	ssyncadd.s32 $0xFFFF0000  }
0x42: {  	[hbm4b:s6+s2] =	stream.linear.scatter [tilespmem:s9], [sflag:$0x2], $0x10000, $0x38;
	[tilespmem:$0x1D400] =	vst v63  }
0x43: {  	s14 =	simm.s32 $0x2000;
	s15 =	simm.s32 $0x400;
	_ =	swait.ge [sflag:s11], $0x10000  }
0x44: {  	p0 =	por $0x1, $0x1;
	s13 =	sadd.s32 $0x40000, s6;
	[sflag:s11] =	ssyncset.done $0x0  }
.LBB2_5:
0x45: {  	s15 =	sadd.s32 $0x7000, s15  }
0x46: {  	[sflag:s11] =	ssyncadd.s32 $0xFFFF0000;
	s16 =	smov.u32 s14;
	s17 =	sadd.s32 $0x1000, s14  }
0x47: {  	[tilespmem:s9], [sflag:$0x1] =	stream.indirect.gather [hbm4b:s3+s8], $0x40, s15, s8, $0xb8;
	[tilespmem:$0x1D400] =	vst v63  }
0x48: {  	p1 =	sne.s32 s14, $0x18000;
	_ =	swait.ge [sflag:s10], $0x10000  }
.Ltmp3:
0x49: {  	[sflag:s10] =	ssyncset.done $0x0;
	(pc) =	sbr.rel @p1 .LBB2_5-.Ltmp3, $4  }
0x4a: {  	[sflag:s10] =	ssyncadd.s32 $0xFFFF0000  }
0x4b: {  	[hbm4b:s13+s2] =	stream.linear.scatter [tilespmem:s9], [sflag:$0x2], $0x10000, $0x38;
	[tilespmem:$0x1D400] =	vst v63  }
0x4c: {  	s15 =	sshra.s32 s16, $0x2;
	_ =	swait.ge [sflag:s11], $0x10000  }
0x4d: {  	s14 =	smov.u32 s17;
	s13 =	sadd.s32 $0x40000, s13;
	[sflag:s11] =	ssyncset.done $0x0  }
.LBB2_6:
0x4e: {  	s14 =	sadd.s32 $0x7000, s15;
	[sflag:s11] =	ssyncadd.s32 @p0 $0xFFFF0000  }
0x4f: {  	[tilespmem:s9], [sflag:$0x1] =	stream.indirect.gather [hbm4b:s3+s8], $0x40, s14, s8, $0xb8;
	[tilespmem:$0x1D400] =	vst v63  }
0x50: {  	s12 =	sadd.s32 $0x1, s12;
	_ =	swait.ge [sflag:s10], $0x10000  }
0x51: {  	p0 =	sne.s32 s12, s5;
	[sflag:s10] =	ssyncset.done $0x0  }
.Ltmp4:
0x52: {  	[sflag:s10] =	ssyncadd.s32 $0xFFFF0000;
	(pc) =	sbr.rel @p0 .LBB2_1-.Ltmp4, $4  }
0x53: {  	[hbm4b:s13+s2] =	stream.linear.scatter [tilespmem:s9], [sflag:$0x2], $0x10000, $0x38;
	[tilespmem:$0x1D400] =	vst v63  }
0x54: {  	_ =	swait.ge [sflag:s11], $0x10000  }
0x55: {  	[sflag:s11] =	ssyncset.done $0x0  }
0x56: {  	[sflag:s11] =	ssyncadd.s32 $0xFFFF0000  }
0x57: {  	_ =	sfence.sel $0x180000  }
0x58: {  	[bflag:$0x0] =	sbarrier.arrive $0xFFFF  }
0x59: {  	p0 =	sne.s32 s1, $0x0;
	_ =	strace $0x90000047  }
0x5a: {  	s0 =	sadd.s32 @!p0 $0x100000, s0;
	[bflag:$0x2] =	sbarrier.arrive $0xFFFF  }
0x5b: {  	[sflag:s0] =	ssyncadd.tile.s32 @!p0 $0x1;
	_ =	shalt  }
.Lfunc_end2:
_tile_overlayer_lowered:
.L_overlay_start_2:
0x5c: {  	(tag) =	ssettag $0x2  }
0x5d: {  	s0 =	rddreg [dreg:$0x0];
	s2 =	stileid.u32  }
0x5e: {  	s1 =	rddreg [dreg:$0x1];
	p0 =	sne.s32 s2, $0x0  }
0x5f: {  	s3 =	rddreg [dreg:$0x2];
	[bflag:$0x3] =	sbarrier.arrive $0xFFFF;
	s2 =	simm.s32 @!p0 $0x1C03  }
0x60: {  	[timem:s3], [sflag:s2] =	dma.local @!p0 [hbm:s0], s1  }
0x61: {  	s0 =	simm.s32 @!p0 $0x3  }
0x62: {  	_ =	swait.ge @!p0 [sflag:s0], s1  }
0x63: {  	s1 =	ssub.s32 @!p0 $0x0, s1;
	[sflag:s0] =	ssyncset.done @!p0 $0x0  }
0x64: {  	[sflag:s0] =	ssyncadd.s32 @!p0 s1  }
0x65: {  	[bflag:$0x3] =	sbarrier.arrive $0xFFFF  }
0x66: {  	_ =	shalt  }

</sc_bundles>
